<compile_context>
chip_gen: v7x
topology: tpu7x:2x2x1
jax: 0.10.2.dev20260603
libtpu: 0.0.44.dev20260713+nightly
codegen_flags: <defaults>
</compile_context>

<pallas_src>
import functools

import jax
import jax.numpy as jnp
from jax import lax
from jax.experimental import pallas as pl
from jax.experimental.pallas import tpu as pltpu
from jax.experimental.pallas import tpu_sc as plsc

N_NODES = 100000
N_SAMPLES = 10
N_EDGES = 1600000
W = 16
N_PAD = 100352
NC, NS = 2, 16
NW = NC * NS
CHUNK = 128
KC = 4
N_CHUNKS = N_EDGES // CHUNK
ROWS_PER_TILE = N_PAD // NS
ZROWS = 784
NBC = 2048


def _prep_body(z_ref, dg_ref, pd_ref, mn_ref, o_ref):
    z = z_ref[...]
    std = jax.nn.softplus(dg_ref[...])
    x = std * z
    row = lax.broadcasted_iota(jnp.int32, (W, NBC), 0)
    x = jnp.where(row == 10, 1.0, x)
    x = jnp.where(row == 11, jax.nn.softplus(pd_ref[...]), x)
    x = jnp.where(row == 12, mn_ref[...], x)
    o_ref[...] = x


def _final_body(s_ref, xs_ref, a_ref, o_ref):
    alpha1 = s_ref[0, 0]
    alpha2 = s_ref[0, 1]
    gamma = s_ref[0, 2]
    xs = xs_ref[...]
    a = a_ref[...]
    aggr = (a[0] + a[1]).T
    deg = jnp.maximum(aggr[10:11, :], 1.0)
    self_w = jnp.exp(gamma * jnp.log(deg))
    out = xs[11:12, :] * (alpha1 * self_w * xs + alpha2 * aggr) + xs[12:13, :]
    o_ref[...] = out


def _sc_body(xs_hbm, ei_hbm, zeros_hbm, out_hbm,
             src_v, dst_v, rows_v, acc_sh, gsem, ssem, dsem):
    c = lax.axis_index("c")
    s = lax.axis_index("s")
    base_blk = jnp.where(
        c == 0,
        jnp.where(s < 10, s * 99, 990 + (s - 10) * 98),
        1578 + jnp.where(s < 11, s * 97, 1067 + (s - 11) * 96))
    base_chunk = base_blk * KC
    nblk = jnp.where(c == 0, jnp.where(s < 10, 99, 98),
                     jnp.where(s < 11, 97, 96))

    for r in range(ROWS_PER_TILE // ZROWS):
        pltpu.sync_copy(zeros_hbm,
                        acc_sh.at[pl.ds(s * ROWS_PER_TILE + r * ZROWS, ZROWS)])
    plsc.subcore_barrier()

    def gather(k):
        return pltpu.async_copy(xs_hbm.at[src_v.at[pl.ds(k * CHUNK, CHUNK)]],
                                rows_v.at[k], gsem)

    def scatter(k):
        return pltpu.async_copy(rows_v.at[k], acc_sh.at[dst_v.at[k]], ssem,
                                add=True)

    def body(blk, carry):
        e0 = (base_chunk + blk * KC) * CHUNK
        pltpu.sync_copy(ei_hbm.at[0, pl.ds(e0, KC * CHUNK)], src_v)
        for k in range(KC):
            pltpu.async_copy(ei_hbm.at[1, pl.ds(e0 + k * CHUNK, CHUNK)],
                             dst_v.at[k], dsem)
        for k in range(KC):
            pltpu.make_async_copy(ei_hbm.at[1, pl.ds(e0 + k * CHUNK, CHUNK)],
                                  dst_v.at[k], dsem).wait()
        gather(0)
        for k in range(1, KC):
            gather(k)
            pltpu.make_async_copy(xs_hbm.at[src_v.at[pl.ds((k - 1) * CHUNK,
                                                           CHUNK)]],
                                  rows_v.at[k - 1], gsem).wait()
            scatter(k - 1)
        pltpu.make_async_copy(xs_hbm.at[src_v.at[pl.ds((KC - 1) * CHUNK,
                                                       CHUNK)]],
                              rows_v.at[KC - 1], gsem).wait()
        scatter(KC - 1)
        for k in range(KC):
            pltpu.make_async_copy(rows_v.at[k], acc_sh.at[dst_v.at[k]],
                                  ssem).wait()
        return carry

    lax.fori_loop(0, nblk, body, 0)
    plsc.subcore_barrier()

    pltpu.sync_copy(acc_sh.at[pl.ds(s * ROWS_PER_TILE, ROWS_PER_TILE)],
                    out_hbm.at[c, pl.ds(s * ROWS_PER_TILE, ROWS_PER_TILE)])


_sc_call = functools.partial(
    pl.kernel,
    out_type=jax.ShapeDtypeStruct((NC, N_PAD, W), jnp.float32),
    mesh=plsc.VectorSubcoreMesh(core_axis_name="c", subcore_axis_name="s"),
    scratch_types=[
        pltpu.VMEM((KC * CHUNK,), jnp.int32),
        pltpu.VMEM((KC, CHUNK), jnp.int32),
        pltpu.VMEM((KC, CHUNK, W), jnp.float32),
        pltpu.VMEM_SHARED((N_PAD, W), jnp.float32),
        pltpu.SemaphoreType.DMA,
        pltpu.SemaphoreType.DMA,
        pltpu.SemaphoreType.DMA,
    ],
    compiler_params=pltpu.CompilerParams(use_tc_tiling_on_sc=False),
)(_sc_body)


def kernel(standard_sample, edge_index, mean_param, diag_param, post_diag_param,
           alpha1, alpha2, gamma):
    f32 = jnp.float32
    zq = jnp.pad(standard_sample.astype(f32),
                 ((0, W - N_SAMPLES), (0, N_PAD - N_NODES)))
    dg = jnp.pad(diag_param, (0, N_PAD - N_NODES)).reshape(1, N_PAD)
    pd = jnp.pad(post_diag_param, (0, N_PAD - N_NODES)).reshape(1, N_PAD)
    mn = jnp.pad(mean_param, (0, N_PAD - N_NODES)).reshape(1, N_PAD)
    zeros_hbm = jnp.zeros((ZROWS, W), f32)
    scalars = jnp.stack([alpha1, alpha2, gamma]).astype(f32).reshape(1, 3)

    grid = (N_PAD // NBC,)
    blk_spec = pl.BlockSpec((W, NBC), lambda i: (0, i))
    par_spec = pl.BlockSpec((1, NBC), lambda i: (0, i))

    xs_packed = pl.pallas_call(
        _prep_body,
        grid=grid,
        in_specs=[blk_spec, par_spec, par_spec, par_spec],
        out_specs=blk_spec,
        out_shape=jax.ShapeDtypeStruct((W, N_PAD), f32),
    )(zq, dg, pd, mn)
    xs_rows = xs_packed.T

    acc = _sc_call(xs_rows, edge_index, zeros_hbm)

    out_packed = pl.pallas_call(
        _final_body,
        grid=grid,
        in_specs=[pl.BlockSpec(memory_space=pltpu.SMEM),
                  blk_spec,
                  pl.BlockSpec((NC, NBC, W), lambda i: (0, i, 0))],
        out_specs=blk_spec,
        out_shape=jax.ShapeDtypeStruct((W, N_PAD), f32),
    )(scalars, xs_packed, acc)

    return out_packed[:N_SAMPLES, :N_NODES]

# --- scband reference (transcript-rebuilt; emitter-appended) ---
"""Pipeline reference for scband-variational-dist-12953621364819 (READ-ONLY COPY).

The authoritative reference and input builder live on the scoring server;
editing this copy changes nothing except your own understanding.
"""

import jax, jax.numpy as jnp
import numpy as np

N_SAMPLES = 10
N_SPACE = 100000
AVG_DEG = 16
N_EDGES = N_SPACE * AVG_DEG


def setup_inputs(seed: int = 0) -> dict:
    key = jax.random.key(seed)
    k1, k2, k3, k4, k5, k6, k7, k8 = jax.random.split(key, 8)
    standard_sample = jax.random.normal(k1, (N_SAMPLES, N_SPACE), dtype=jnp.float32)
    edge_index = jax.random.randint(k2, (2, N_EDGES), 0, N_SPACE, dtype=jnp.int32)
    # Learned parameters of VariationalDist
    mean_param = jax.random.normal(k3, (N_SPACE,), dtype=jnp.float32)  # mask * graph_y.x[:,0]
    diag_param = 2.0 * jax.random.uniform(k4, (N_SPACE,), dtype=jnp.float32) - 1.0
    post_diag_param = 2.0 * jax.random.uniform(k5, (N_SPACE,), dtype=jnp.float32) - 1.0
    # FlexLayer (DGMRF-style) parameters: out = alpha1 * deg^gamma * x + alpha2 * A x
    alpha1 = jax.random.normal(k6, (), dtype=jnp.float32) * 0.1 + 1.0
    alpha2 = jax.random.normal(k7, (), dtype=jnp.float32) * 0.1
    gamma = jax.random.normal(k8, (), dtype=jnp.float32) * 0.1
    return {
        "standard_sample": standard_sample,
        "edge_index": edge_index,
        "mean_param": mean_param,
        "diag_param": diag_param,
        "post_diag_param": post_diag_param,
        "alpha1": alpha1,
        "alpha2": alpha2,
        "gamma": gamma,
    }


def reference(standard_sample, edge_index, mean_param, diag_param, post_diag_param, alpha1, alpha2, gamma):
    src = edge_index[0]
    dst = edge_index[1]
    n = mean_param.shape[0]
    # std = softplus(diag_param)
    std = jax.nn.softplus(diag_param)
    ind_samples = std * standard_sample  # [S, N]
    # degree-based self weighting (DGMRF FlexLayer)
    deg = jax.ops.segment_sum(jnp.ones_like(src, dtype=jnp.float32), dst, num_segments=n)
    deg = jnp.maximum(deg, 1.0)
    self_w = jnp.exp(gamma * jnp.log(deg))  # deg^gamma

    def layer(xs):
        # message passing: aggregate neighbor values (scatter-add over dst)
        aggr = jax.ops.segment_sum(xs[src], dst, num_segments=n)
        return alpha1 * self_w * xs + alpha2 * aggr

    x = ind_samples
    # vi_layers = 1; batched graph of N_SAMPLES identical copies -> vmap over samples
    x = jax.vmap(layer)(x)
    samples = jax.nn.softplus(post_diag_param) * x
    samples = samples + mean_param
    return samples

if __name__ == "__main__":
    import jax
    _d = setup_inputs()
    print(jax.jit(kernel)(*tuple(_d.values())))

</pallas_src>

<mosaic_0001>
#map = affine_map<(d0, d1) -> (0, 0)>
#map1 = affine_map<(d0, d1) -> (0, 0, 0)>
module attributes {stable_mosaic.version = 14 : i64} {
  func.func @_sc_body(%arg0: i32, %arg1: i32, %arg2: memref<100352x16xf32, #tpu.memory_space<hbm>>, %arg3: memref<2x1600000xi32, #tpu.memory_space<hbm>>, %arg4: memref<784x16xf32, #tpu.memory_space<hbm>>, %arg5: memref<2x100352x16xf32, #tpu.memory_space<hbm>>, %arg6: memref<512xi32, #tpu.memory_space<vmem>>, %arg7: memref<4x128xi32, #tpu.memory_space<vmem>>, %arg8: memref<4x128x16xf32, #tpu.memory_space<vmem>>, %arg9: memref<100352x16xf32, #tpu.memory_space<vmem_shared>>, %arg10: memref<!tpu.dma_semaphore, #tpu.memory_space<semaphore_mem>>, %arg11: memref<!tpu.dma_semaphore, #tpu.memory_space<semaphore_mem>>, %arg12: memref<!tpu.dma_semaphore, #tpu.memory_space<semaphore_mem>>) attributes {dimension_semantics = [#tpu.dimension_semantics<core_parallel>, #tpu.dimension_semantics<subcore_parallel>], iteration_bounds = array<i64: 2, 16>, scalar_prefetch = 0 : i64, scratch_operands = 7 : i64, tpu.core_type = #tpu.core_type<sc_vector_subcore>, window_params = [{transform_indices = #map}, {transform_indices = #map}, {transform_indices = #map}, {transform_indices = #map1}]} {
    %eq3A = arith.constant 0 : i32
    %eq3A_0 = arith.cmpi eq, %arg0, %eq3A : i32
    %lt3A = arith.constant 10 : i32
    %lt3A_1 = arith.cmpi slt, %arg1, %lt3A : i32
    %mul3A = arith.constant 99 : i32
    %mul3A_2 = arith.muli %arg1, %mul3A : i32
    %sub3A = arith.constant 10 : i32
    %sub3A_3 = arith.subi %arg1, %sub3A : i32
    %mul3A_4 = arith.constant 98 : i32
    %mul3A_5 = arith.muli %sub3A_3, %mul3A_4 : i32
    %add3A = arith.constant 990 : i32
    %add3A_6 = arith.addi %add3A, %mul3A_5 : i32
    %select_n3A = arith.select %lt3A_1, %mul3A_2, %add3A_6 : i32
    %lt3A_7 = arith.constant 11 : i32
    %lt3A_8 = arith.cmpi slt, %arg1, %lt3A_7 : i32
    %mul3A_9 = arith.constant 97 : i32
    %mul3A_10 = arith.muli %arg1, %mul3A_9 : i32
    %sub3A_11 = arith.constant 11 : i32
    %sub3A_12 = arith.subi %arg1, %sub3A_11 : i32
    %mul3A_13 = arith.constant 96 : i32
    %mul3A_14 = arith.muli %sub3A_12, %mul3A_13 : i32
    %add3A_15 = arith.constant 1067 : i32
    %add3A_16 = arith.addi %add3A_15, %mul3A_14 : i32
    %select_n3A_17 = arith.select %lt3A_8, %mul3A_10, %add3A_16 : i32
    %add3A_18 = arith.constant 1578 : i32
    %add3A_19 = arith.addi %add3A_18, %select_n3A_17 : i32
    %select_n3A_20 = arith.select %eq3A_0, %select_n3A, %add3A_19 : i32
    %mul3A_21 = arith.constant 4 : i32
    %mul3A_22 = arith.muli %select_n3A_20, %mul3A_21 : i32
    %eq3A_23 = arith.constant 0 : i32
    %eq3A_24 = arith.cmpi eq, %arg0, %eq3A_23 : i32
    %lt3A_25 = arith.constant 10 : i32
    %lt3A_26 = arith.cmpi slt, %arg1, %lt3A_25 : i32
    %jit3A = arith.constant 99 : i32
    %jit3A_27 = arith.constant 98 : i32
    %select_n3A_28 = arith.select %lt3A_26, %jit3A, %jit3A_27 : i32
    %lt3A_29 = arith.constant 11 : i32
    %lt3A_30 = arith.cmpi slt, %arg1, %lt3A_29 : i32
    %jit3A_31 = arith.constant 97 : i32
    %jit3A_32 = arith.constant 96 : i32
    %select_n3A_33 = arith.select %lt3A_30, %jit3A_31, %jit3A_32 : i32
    %select_n3A_34 = arith.select %eq3A_24, %select_n3A_28, %select_n3A_33 : i32
    %mul3A_35 = arith.constant 6272 : i32
    %mul3A_36 = arith.muli %arg1, %mul3A_35 : i32
    %add3A_37 = arith.constant 0 : i32
    %add3A_38 = arith.addi %mul3A_36, %add3A_37 : i32
    "tpu.region"() ({
      %run_scoped3A = tpu.sem_alloc : memref<!tpu.dma_semaphore, #tpu.memory_space<semaphore_mem>>
      %dma_start3A = arith.constant 0 : i32
      %dma_start3A_81 = tpu.memref_slice %arg9[%add3A_38, %dma_start3A] : memref<100352x16xf32, #tpu.memory_space<vmem_shared>> -> memref<784x16xf32, #tpu.memory_space<vmem_shared>>
      tpu.enqueue_dma source(%arg4 : memref<784x16xf32, #tpu.memory_space<hbm>>) target(%dma_start3A_81 : memref<784x16xf32, #tpu.memory_space<vmem_shared>>) target_semaphore(%run_scoped3A : memref<!tpu.dma_semaphore, #tpu.memory_space<semaphore_mem>>)
      %dma_wait3A = arith.constant 0 : i32
      %dma_wait3A_82 = tpu.memref_slice %arg9[%add3A_38, %dma_wait3A] : memref<100352x16xf32, #tpu.memory_space<vmem_shared>> -> memref<784x16xf32, #tpu.memory_space<vmem_shared>>
      tpu.wait_dma2 semaphore(%run_scoped3A : memref<!tpu.dma_semaphore, #tpu.memory_space<semaphore_mem>>) src(%arg4 : memref<784x16xf32, #tpu.memory_space<hbm>>) dst(%dma_wait3A_82 : memref<784x16xf32, #tpu.memory_space<vmem_shared>>)
      tpu.yield
    }) : () -> ()
    %mul3A_39 = arith.constant 6272 : i32
    %mul3A_40 = arith.muli %arg1, %mul3A_39 : i32
    %add3A_41 = arith.constant 784 : i32
    %add3A_42 = arith.addi %mul3A_40, %add3A_41 : i32
    "tpu.region"() ({
      %run_scoped3A = tpu.sem_alloc : memref<!tpu.dma_semaphore, #tpu.memory_space<semaphore_mem>>
      %dma_start3A = arith.constant 0 : i32
      %dma_start3A_81 = tpu.memref_slice %arg9[%add3A_42, %dma_start3A] : memref<100352x16xf32, #tpu.memory_space<vmem_shared>> -> memref<784x16xf32, #tpu.memory_space<vmem_shared>>
      tpu.enqueue_dma source(%arg4 : memref<784x16xf32, #tpu.memory_space<hbm>>) target(%dma_start3A_81 : memref<784x16xf32, #tpu.memory_space<vmem_shared>>) target_semaphore(%run_scoped3A : memref<!tpu.dma_semaphore, #tpu.memory_space<semaphore_mem>>)
      %dma_wait3A = arith.constant 0 : i32
      %dma_wait3A_82 = tpu.memref_slice %arg9[%add3A_42, %dma_wait3A] : memref<100352x16xf32, #tpu.memory_space<vmem_shared>> -> memref<784x16xf32, #tpu.memory_space<vmem_shared>>
      tpu.wait_dma2 semaphore(%run_scoped3A : memref<!tpu.dma_semaphore, #tpu.memory_space<semaphore_mem>>) src(%arg4 : memref<784x16xf32, #tpu.memory_space<hbm>>) dst(%dma_wait3A_82 : memref<784x16xf32, #tpu.memory_space<vmem_shared>>)
      tpu.yield
    }) : () -> ()
    %mul3A_43 = arith.constant 6272 : i32
    %mul3A_44 = arith.muli %arg1, %mul3A_43 : i32
    %add3A_45 = arith.constant 1568 : i32
    %add3A_46 = arith.addi %mul3A_44, %add3A_45 : i32
    "tpu.region"() ({
      %run_scoped3A = tpu.sem_alloc : memref<!tpu.dma_semaphore, #tpu.memory_space<semaphore_mem>>
      %dma_start3A = arith.constant 0 : i32
      %dma_start3A_81 = tpu.memref_slice %arg9[%add3A_46, %dma_start3A] : memref<100352x16xf32, #tpu.memory_space<vmem_shared>> -> memref<784x16xf32, #tpu.memory_space<vmem_shared>>
      tpu.enqueue_dma source(%arg4 : memref<784x16xf32, #tpu.memory_space<hbm>>) target(%dma_start3A_81 : memref<784x16xf32, #tpu.memory_space<vmem_shared>>) target_semaphore(%run_scoped3A : memref<!tpu.dma_semaphore, #tpu.memory_space<semaphore_mem>>)
      %dma_wait3A = arith.constant 0 : i32
      %dma_wait3A_82 = tpu.memref_slice %arg9[%add3A_46, %dma_wait3A] : memref<100352x16xf32, #tpu.memory_space<vmem_shared>> -> memref<784x16xf32, #tpu.memory_space<vmem_shared>>
      tpu.wait_dma2 semaphore(%run_scoped3A : memref<!tpu.dma_semaphore, #tpu.memory_space<semaphore_mem>>) src(%arg4 : memref<784x16xf32, #tpu.memory_space<hbm>>) dst(%dma_wait3A_82 : memref<784x16xf32, #tpu.memory_space<vmem_shared>>)
      tpu.yield
    }) : () -> ()
    %mul3A_47 = arith.constant 6272 : i32
    %mul3A_48 = arith.muli %arg1, %mul3A_47 : i32
    %add3A_49 = arith.constant 2352 : i32
    %add3A_50 = arith.addi %mul3A_48, %add3A_49 : i32
    "tpu.region"() ({
      %run_scoped3A = tpu.sem_alloc : memref<!tpu.dma_semaphore, #tpu.memory_space<semaphore_mem>>
      %dma_start3A = arith.constant 0 : i32
      %dma_start3A_81 = tpu.memref_slice %arg9[%add3A_50, %dma_start3A] : memref<100352x16xf32, #tpu.memory_space<vmem_shared>> -> memref<784x16xf32, #tpu.memory_space<vmem_shared>>
      tpu.enqueue_dma source(%arg4 : memref<784x16xf32, #tpu.memory_space<hbm>>) target(%dma_start3A_81 : memref<784x16xf32, #tpu.memory_space<vmem_shared>>) target_semaphore(%run_scoped3A : memref<!tpu.dma_semaphore, #tpu.memory_space<semaphore_mem>>)
      %dma_wait3A = arith.constant 0 : i32
      %dma_wait3A_82 = tpu.memref_slice %arg9[%add3A_50, %dma_wait3A] : memref<100352x16xf32, #tpu.memory_space<vmem_shared>> -> memref<784x16xf32, #tpu.memory_space<vmem_shared>>
      tpu.wait_dma2 semaphore(%run_scoped3A : memref<!tpu.dma_semaphore, #tpu.memory_space<semaphore_mem>>) src(%arg4 : memref<784x16xf32, #tpu.memory_space<hbm>>) dst(%dma_wait3A_82 : memref<784x16xf32, #tpu.memory_space<vmem_shared>>)
      tpu.yield
    }) : () -> ()
    %mul3A_51 = arith.constant 6272 : i32
    %mul3A_52 = arith.muli %arg1, %mul3A_51 : i32
    %add3A_53 = arith.constant 3136 : i32
    %add3A_54 = arith.addi %mul3A_52, %add3A_53 : i32
    "tpu.region"() ({
      %run_scoped3A = tpu.sem_alloc : memref<!tpu.dma_semaphore, #tpu.memory_space<semaphore_mem>>
      %dma_start3A = arith.constant 0 : i32
      %dma_start3A_81 = tpu.memref_slice %arg9[%add3A_54, %dma_start3A] : memref<100352x16xf32, #tpu.memory_space<vmem_shared>> -> memref<784x16xf32, #tpu.memory_space<vmem_shared>>
      tpu.enqueue_dma source(%arg4 : memref<784x16xf32, #tpu.memory_space<hbm>>) target(%dma_start3A_81 : memref<784x16xf32, #tpu.memory_space<vmem_shared>>) target_semaphore(%run_scoped3A : memref<!tpu.dma_semaphore, #tpu.memory_space<semaphore_mem>>)
      %dma_wait3A = arith.constant 0 : i32
      %dma_wait3A_82 = tpu.memref_slice %arg9[%add3A_54, %dma_wait3A] : memref<100352x16xf32, #tpu.memory_space<vmem_shared>> -> memref<784x16xf32, #tpu.memory_space<vmem_shared>>
      tpu.wait_dma2 semaphore(%run_scoped3A : memref<!tpu.dma_semaphore, #tpu.memory_space<semaphore_mem>>) src(%arg4 : memref<784x16xf32, #tpu.memory_space<hbm>>) dst(%dma_wait3A_82 : memref<784x16xf32, #tpu.memory_space<vmem_shared>>)
      tpu.yield
    }) : () -> ()
    %mul3A_55 = arith.constant 6272 : i32
    %mul3A_56 = arith.muli %arg1, %mul3A_55 : i32
    %add3A_57 = arith.constant 3920 : i32
    %add3A_58 = arith.addi %mul3A_56, %add3A_57 : i32
    "tpu.region"() ({
      %run_scoped3A = tpu.sem_alloc : memref<!tpu.dma_semaphore, #tpu.memory_space<semaphore_mem>>
      %dma_start3A = arith.constant 0 : i32
      %dma_start3A_81 = tpu.memref_slice %arg9[%add3A_58, %dma_start3A] : memref<100352x16xf32, #tpu.memory_space<vmem_shared>> -> memref<784x16xf32, #tpu.memory_space<vmem_shared>>
      tpu.enqueue_dma source(%arg4 : memref<784x16xf32, #tpu.memory_space<hbm>>) target(%dma_start3A_81 : memref<784x16xf32, #tpu.memory_space<vmem_shared>>) target_semaphore(%run_scoped3A : memref<!tpu.dma_semaphore, #tpu.memory_space<semaphore_mem>>)
      %dma_wait3A = arith.constant 0 : i32
      %dma_wait3A_82 = tpu.memref_slice %arg9[%add3A_58, %dma_wait3A] : memref<100352x16xf32, #tpu.memory_space<vmem_shared>> -> memref<784x16xf32, #tpu.memory_space<vmem_shared>>
      tpu.wait_dma2 semaphore(%run_scoped3A : memref<!tpu.dma_semaphore, #tpu.memory_space<semaphore_mem>>) src(%arg4 : memref<784x16xf32, #tpu.memory_space<hbm>>) dst(%dma_wait3A_82 : memref<784x16xf32, #tpu.memory_space<vmem_shared>>)
      tpu.yield
    }) : () -> ()
    %mul3A_59 = arith.constant 6272 : i32
    %mul3A_60 = arith.muli %arg1, %mul3A_59 : i32
    %add3A_61 = arith.constant 4704 : i32
    %add3A_62 = arith.addi %mul3A_60, %add3A_61 : i32
    "tpu.region"() ({
      %run_scoped3A = tpu.sem_alloc : memref<!tpu.dma_semaphore, #tpu.memory_space<semaphore_mem>>
      %dma_start3A = arith.constant 0 : i32
      %dma_start3A_81 = tpu.memref_slice %arg9[%add3A_62, %dma_start3A] : memref<100352x16xf32, #tpu.memory_space<vmem_shared>> -> memref<784x16xf32, #tpu.memory_space<vmem_shared>>
      tpu.enqueue_dma source(%arg4 : memref<784x16xf32, #tpu.memory_space<hbm>>) target(%dma_start3A_81 : memref<784x16xf32, #tpu.memory_space<vmem_shared>>) target_semaphore(%run_scoped3A : memref<!tpu.dma_semaphore, #tpu.memory_space<semaphore_mem>>)
      %dma_wait3A = arith.constant 0 : i32
      %dma_wait3A_82 = tpu.memref_slice %arg9[%add3A_62, %dma_wait3A] : memref<100352x16xf32, #tpu.memory_space<vmem_shared>> -> memref<784x16xf32, #tpu.memory_space<vmem_shared>>
      tpu.wait_dma2 semaphore(%run_scoped3A : memref<!tpu.dma_semaphore, #tpu.memory_space<semaphore_mem>>) src(%arg4 : memref<784x16xf32, #tpu.memory_space<hbm>>) dst(%dma_wait3A_82 : memref<784x16xf32, #tpu.memory_space<vmem_shared>>)
      tpu.yield
    }) : () -> ()
    %mul3A_63 = arith.constant 6272 : i32
    %mul3A_64 = arith.muli %arg1, %mul3A_63 : i32
    %add3A_65 = arith.constant 5488 : i32
    %add3A_66 = arith.addi %mul3A_64, %add3A_65 : i32
    "tpu.region"() ({
      %run_scoped3A = tpu.sem_alloc : memref<!tpu.dma_semaphore, #tpu.memory_space<semaphore_mem>>
      %dma_start3A = arith.constant 0 : i32
      %dma_start3A_81 = tpu.memref_slice %arg9[%add3A_66, %dma_start3A] : memref<100352x16xf32, #tpu.memory_space<vmem_shared>> -> memref<784x16xf32, #tpu.memory_space<vmem_shared>>
      tpu.enqueue_dma source(%arg4 : memref<784x16xf32, #tpu.memory_space<hbm>>) target(%dma_start3A_81 : memref<784x16xf32, #tpu.memory_space<vmem_shared>>) target_semaphore(%run_scoped3A : memref<!tpu.dma_semaphore, #tpu.memory_space<semaphore_mem>>)
      %dma_wait3A = arith.constant 0 : i32
      %dma_wait3A_82 = tpu.memref_slice %arg9[%add3A_66, %dma_wait3A] : memref<100352x16xf32, #tpu.memory_space<vmem_shared>> -> memref<784x16xf32, #tpu.memory_space<vmem_shared>>
      tpu.wait_dma2 semaphore(%run_scoped3A : memref<!tpu.dma_semaphore, #tpu.memory_space<semaphore_mem>>) src(%arg4 : memref<784x16xf32, #tpu.memory_space<hbm>>) dst(%dma_wait3A_82 : memref<784x16xf32, #tpu.memory_space<vmem_shared>>)
      tpu.yield
    }) : () -> ()
    %barrier3A = arith.constant 0 : index
    tpu.barrier barrier_id(%barrier3A)
    %while3A = arith.constant 0 : i32
    %while3A_67 = arith.constant 0 : i32
    %while3A_68 = arith.subi %select_n3A_34, %while3A_67 : i32
    %while3A_69 = arith.addi %while3A_67, %while3A_68 : i32
    %while3A_70 = arith.constant 1 : i32
    %while3A_71 = arith.divsi %while3A_68, %while3A_70 : i32
    %while3A_72 = arith.muli %while3A_71, %while3A_70 : i32
    %while3A_73 = arith.addi %while3A_67, %while3A_72 : i32
    %while3A_74 = arith.constant 1 : i32
    scf.for %while3A_81 = %while3A_67 to %while3A_73 step %while3A_74  : i32 {
      %mul3A_82 = arith.constant 4 : i32
      %mul3A_83 = arith.muli %while3A_81, %mul3A_82 : i32
      %add3A_84 = arith.addi %mul3A_22, %mul3A_83 : i32
      %mul3A_85 = arith.constant 128 : i32
      %mul3A_86 = arith.muli %add3A_84, %mul3A_85 : i32
      %run_scoped3A = arith.constant 0 : i32
      "tpu.region"() ({
        %run_scoped3A_373 = tpu.sem_alloc : memref<!tpu.dma_semaphore, #tpu.memory_space<semaphore_mem>>
        %dma_start3A_374 = tpu.memref_slice %arg3[%run_scoped3A, %mul3A_86] : memref<2x1600000xi32, #tpu.memory_space<hbm>> -> memref<1x512xi32, #tpu.memory_space<hbm>>
        %dma_start3A_375 = tpu.memref_squeeze %dma_start3A_374 : memref<1x512xi32, #tpu.memory_space<hbm>> -> memref<512xi32, #tpu.memory_space<hbm>>
        %dma_start3A_376 = tpu.memref_slice %arg3[%run_scoped3A, %mul3A_86] : memref<2x1600000xi32, #tpu.memory_space<hbm>> -> memref<1x512xi32, #tpu.memory_space<hbm>>
        %dma_start3A_377 = tpu.memref_squeeze %dma_start3A_376 : memref<1x512xi32, #tpu.memory_space<hbm>> -> memref<512xi32, #tpu.memory_space<hbm>>
        tpu.enqueue_dma source(%dma_start3A_377 : memref<512xi32, #tpu.memory_space<hbm>>) target(%arg6 : memref<512xi32, #tpu.memory_space<vmem>>) target_semaphore(%run_scoped3A_373 : memref<!tpu.dma_semaphore, #tpu.memory_space<semaphore_mem>>)
        %dma_wait3A_378 = tpu.memref_slice %arg3[%run_scoped3A, %mul3A_86] : memref<2x1600000xi32, #tpu.memory_space<hbm>> -> memref<1x512xi32, #tpu.memory_space<hbm>>
        %dma_wait3A_379 = tpu.memref_squeeze %dma_wait3A_378 : memref<1x512xi32, #tpu.memory_space<hbm>> -> memref<512xi32, #tpu.memory_space<hbm>>
        %dma_wait3A_380 = tpu.memref_slice %arg3[%run_scoped3A, %mul3A_86] : memref<2x1600000xi32, #tpu.memory_space<hbm>> -> memref<1x512xi32, #tpu.memory_space<hbm>>
        %dma_wait3A_381 = tpu.memref_squeeze %dma_wait3A_380 : memref<1x512xi32, #tpu.memory_space<hbm>> -> memref<512xi32, #tpu.memory_space<hbm>>
        tpu.wait_dma2 semaphore(%run_scoped3A_373 : memref<!tpu.dma_semaphore, #tpu.memory_space<semaphore_mem>>) src(%dma_wait3A_381 : memref<512xi32, #tpu.memory_space<hbm>>) dst(%arg6 : memref<512xi32, #tpu.memory_space<vmem>>)
        tpu.yield
      }) : () -> ()
      %add3A_87 = arith.constant 0 : i32
      %add3A_88 = arith.addi %mul3A_86, %add3A_87 : i32
      %dma_start3A = arith.constant 1 : i32
      %dma_start3A_89 = arith.constant 0 : i32
      %dma_start3A_90 = arith.constant 0 : i32
      %dma_start3A_91 = tpu.memref_slice %arg7[%dma_start3A_89, %dma_start3A_90] : memref<4x128xi32, #tpu.memory_space<vmem>> -> memref<1x128xi32, #tpu.memory_space<vmem>>
      %dma_start3A_92 = tpu.memref_squeeze %dma_start3A_91 : memref<1x128xi32, #tpu.memory_space<vmem>> -> memref<128xi32, #tpu.memory_space<vmem>>
      %dma_start3A_93 = tpu.memref_slice %arg3[%dma_start3A, %add3A_88] : memref<2x1600000xi32, #tpu.memory_space<hbm>> -> memref<1x128xi32, #tpu.memory_space<hbm>>
      %dma_start3A_94 = tpu.memref_squeeze %dma_start3A_93 : memref<1x128xi32, #tpu.memory_space<hbm>> -> memref<128xi32, #tpu.memory_space<hbm>>
      %dma_start3A_95 = arith.constant 0 : i32
      %dma_start3A_96 = tpu.memref_slice %arg7[%dma_start3A_89, %dma_start3A_95] : memref<4x128xi32, #tpu.memory_space<vmem>> -> memref<1x128xi32, #tpu.memory_space<vmem>>
      %dma_start3A_97 = tpu.memref_squeeze %dma_start3A_96 : memref<1x128xi32, #tpu.memory_space<vmem>> -> memref<128xi32, #tpu.memory_space<vmem>>
      %dma_start3A_98 = tpu.memref_slice %arg3[%dma_start3A, %add3A_88] : memref<2x1600000xi32, #tpu.memory_space<hbm>> -> memref<1x128xi32, #tpu.memory_space<hbm>>
      %dma_start3A_99 = tpu.memref_squeeze %dma_start3A_98 : memref<1x128xi32, #tpu.memory_space<hbm>> -> memref<128xi32, #tpu.memory_space<hbm>>
      tpu.enqueue_dma source(%dma_start3A_99 : memref<128xi32, #tpu.memory_space<hbm>>) target(%dma_start3A_97 : memref<128xi32, #tpu.memory_space<vmem>>) target_semaphore(%arg12 : memref<!tpu.dma_semaphore, #tpu.memory_space<semaphore_mem>>)
      %add3A_100 = arith.constant 128 : i32
      %add3A_101 = arith.addi %mul3A_86, %add3A_100 : i32
      %dma_start3A_102 = arith.constant 1 : i32
      %dma_start3A_103 = arith.constant 1 : i32
      %dma_start3A_104 = arith.constant 0 : i32
      %dma_start3A_105 = tpu.memref_slice %arg7[%dma_start3A_103, %dma_start3A_104] : memref<4x128xi32, #tpu.memory_space<vmem>> -> memref<1x128xi32, #tpu.memory_space<vmem>>
      %dma_start3A_106 = tpu.memref_squeeze %dma_start3A_105 : memref<1x128xi32, #tpu.memory_space<vmem>> -> memref<128xi32, #tpu.memory_space<vmem>>
      %dma_start3A_107 = tpu.memref_slice %arg3[%dma_start3A_102, %add3A_101] : memref<2x1600000xi32, #tpu.memory_space<hbm>> -> memref<1x128xi32, #tpu.memory_space<hbm>>
      %dma_start3A_108 = tpu.memref_squeeze %dma_start3A_107 : memref<1x128xi32, #tpu.memory_space<hbm>> -> memref<128xi32, #tpu.memory_space<hbm>>
      %dma_start3A_109 = arith.constant 0 : i32
      %dma_start3A_110 = tpu.memref_slice %arg7[%dma_start3A_103, %dma_start3A_109] : memref<4x128xi32, #tpu.memory_space<vmem>> -> memref<1x128xi32, #tpu.memory_space<vmem>>
      %dma_start3A_111 = tpu.memref_squeeze %dma_start3A_110 : memref<1x128xi32, #tpu.memory_space<vmem>> -> memref<128xi32, #tpu.memory_space<vmem>>
      %dma_start3A_112 = tpu.memref_slice %arg3[%dma_start3A_102, %add3A_101] : memref<2x1600000xi32, #tpu.memory_space<hbm>> -> memref<1x128xi32, #tpu.memory_space<hbm>>
      %dma_start3A_113 = tpu.memref_squeeze %dma_start3A_112 : memref<1x128xi32, #tpu.memory_space<hbm>> -> memref<128xi32, #tpu.memory_space<hbm>>
      tpu.enqueue_dma source(%dma_start3A_113 : memref<128xi32, #tpu.memory_space<hbm>>) target(%dma_start3A_111 : memref<128xi32, #tpu.memory_space<vmem>>) target_semaphore(%arg12 : memref<!tpu.dma_semaphore, #tpu.memory_space<semaphore_mem>>)
      %add3A_114 = arith.constant 256 : i32
      %add3A_115 = arith.addi %mul3A_86, %add3A_114 : i32
      %dma_start3A_116 = arith.constant 1 : i32
      %dma_start3A_117 = arith.constant 2 : i32
      %dma_start3A_118 = arith.constant 0 : i32
      %dma_start3A_119 = tpu.memref_slice %arg7[%dma_start3A_117, %dma_start3A_118] : memref<4x128xi32, #tpu.memory_space<vmem>> -> memref<1x128xi32, #tpu.memory_space<vmem>>
      %dma_start3A_120 = tpu.memref_squeeze %dma_start3A_119 : memref<1x128xi32, #tpu.memory_space<vmem>> -> memref<128xi32, #tpu.memory_space<vmem>>
      %dma_start3A_121 = tpu.memref_slice %arg3[%dma_start3A_116, %add3A_115] : memref<2x1600000xi32, #tpu.memory_space<hbm>> -> memref<1x128xi32, #tpu.memory_space<hbm>>
      %dma_start3A_122 = tpu.memref_squeeze %dma_start3A_121 : memref<1x128xi32, #tpu.memory_space<hbm>> -> memref<128xi32, #tpu.memory_space<hbm>>
      %dma_start3A_123 = arith.constant 0 : i32
      %dma_start3A_124 = tpu.memref_slice %arg7[%dma_start3A_117, %dma_start3A_123] : memref<4x128xi32, #tpu.memory_space<vmem>> -> memref<1x128xi32, #tpu.memory_space<vmem>>
      %dma_start3A_125 = tpu.memref_squeeze %dma_start3A_124 : memref<1x128xi32, #tpu.memory_space<vmem>> -> memref<128xi32, #tpu.memory_space<vmem>>
      %dma_start3A_126 = tpu.memref_slice %arg3[%dma_start3A_116, %add3A_115] : memref<2x1600000xi32, #tpu.memory_space<hbm>> -> memref<1x128xi32, #tpu.memory_space<hbm>>
      %dma_start3A_127 = tpu.memref_squeeze %dma_start3A_126 : memref<1x128xi32, #tpu.memory_space<hbm>> -> memref<128xi32, #tpu.memory_space<hbm>>
      tpu.enqueue_dma source(%dma_start3A_127 : memref<128xi32, #tpu.memory_space<hbm>>) target(%dma_start3A_125 : memref<128xi32, #tpu.memory_space<vmem>>) target_semaphore(%arg12 : memref<!tpu.dma_semaphore, #tpu.memory_space<semaphore_mem>>)
      %add3A_128 = arith.constant 384 : i32
      %add3A_129 = arith.addi %mul3A_86, %add3A_128 : i32
      %dma_start3A_130 = arith.constant 1 : i32
      %dma_start3A_131 = arith.constant 3 : i32
      %dma_start3A_132 = arith.constant 0 : i32
      %dma_start3A_133 = tpu.memref_slice %arg7[%dma_start3A_131, %dma_start3A_132] : memref<4x128xi32, #tpu.memory_space<vmem>> -> memref<1x128xi32, #tpu.memory_space<vmem>>
      %dma_start3A_134 = tpu.memref_squeeze %dma_start3A_133 : memref<1x128xi32, #tpu.memory_space<vmem>> -> memref<128xi32, #tpu.memory_space<vmem>>
      %dma_start3A_135 = tpu.memref_slice %arg3[%dma_start3A_130, %add3A_129] : memref<2x1600000xi32, #tpu.memory_space<hbm>> -> memref<1x128xi32, #tpu.memory_space<hbm>>
      %dma_start3A_136 = tpu.memref_squeeze %dma_start3A_135 : memref<1x128xi32, #tpu.memory_space<hbm>> -> memref<128xi32, #tpu.memory_space<hbm>>
      %dma_start3A_137 = arith.constant 0 : i32
      %dma_start3A_138 = tpu.memref_slice %arg7[%dma_start3A_131, %dma_start3A_137] : memref<4x128xi32, #tpu.memory_space<vmem>> -> memref<1x128xi32, #tpu.memory_space<vmem>>
      %dma_start3A_139 = tpu.memref_squeeze %dma_start3A_138 : memref<1x128xi32, #tpu.memory_space<vmem>> -> memref<128xi32, #tpu.memory_space<vmem>>
      %dma_start3A_140 = tpu.memref_slice %arg3[%dma_start3A_130, %add3A_129] : memref<2x1600000xi32, #tpu.memory_space<hbm>> -> memref<1x128xi32, #tpu.memory_space<hbm>>
      %dma_start3A_141 = tpu.memref_squeeze %dma_start3A_140 : memref<1x128xi32, #tpu.memory_space<hbm>> -> memref<128xi32, #tpu.memory_space<hbm>>
      tpu.enqueue_dma source(%dma_start3A_141 : memref<128xi32, #tpu.memory_space<hbm>>) target(%dma_start3A_139 : memref<128xi32, #tpu.memory_space<vmem>>) target_semaphore(%arg12 : memref<!tpu.dma_semaphore, #tpu.memory_space<semaphore_mem>>)
      %add3A_142 = arith.constant 0 : i32
      %add3A_143 = arith.addi %mul3A_86, %add3A_142 : i32
      %dma_wait3A = arith.constant 1 : i32
      %dma_wait3A_144 = arith.constant 0 : i32
      %dma_wait3A_145 = arith.constant 0 : i32
      %dma_wait3A_146 = tpu.memref_slice %arg7[%dma_wait3A_144, %dma_wait3A_145] : memref<4x128xi32, #tpu.memory_space<vmem>> -> memref<1x128xi32, #tpu.memory_space<vmem>>
      %dma_wait3A_147 = tpu.memref_squeeze %dma_wait3A_146 : memref<1x128xi32, #tpu.memory_space<vmem>> -> memref<128xi32, #tpu.memory_space<vmem>>
      %dma_wait3A_148 = tpu.memref_slice %arg3[%dma_wait3A, %add3A_143] : memref<2x1600000xi32, #tpu.memory_space<hbm>> -> memref<1x128xi32, #tpu.memory_space<hbm>>
      %dma_wait3A_149 = tpu.memref_squeeze %dma_wait3A_148 : memref<1x128xi32, #tpu.memory_space<hbm>> -> memref<128xi32, #tpu.memory_space<hbm>>
      %dma_wait3A_150 = arith.constant 0 : i32
      %dma_wait3A_151 = tpu.memref_slice %arg7[%dma_wait3A_144, %dma_wait3A_150] : memref<4x128xi32, #tpu.memory_space<vmem>> -> memref<1x128xi32, #tpu.memory_space<vmem>>
      %dma_wait3A_152 = tpu.memref_squeeze %dma_wait3A_151 : memref<1x128xi32, #tpu.memory_space<vmem>> -> memref<128xi32, #tpu.memory_space<vmem>>
      %dma_wait3A_153 = tpu.memref_slice %arg3[%dma_wait3A, %add3A_143] : memref<2x1600000xi32, #tpu.memory_space<hbm>> -> memref<1x128xi32, #tpu.memory_space<hbm>>
      %dma_wait3A_154 = tpu.memref_squeeze %dma_wait3A_153 : memref<1x128xi32, #tpu.memory_space<hbm>> -> memref<128xi32, #tpu.memory_space<hbm>>
      tpu.wait_dma2 semaphore(%arg12 : memref<!tpu.dma_semaphore, #tpu.memory_space<semaphore_mem>>) src(%dma_wait3A_154 : memref<128xi32, #tpu.memory_space<hbm>>) dst(%dma_wait3A_152 : memref<128xi32, #tpu.memory_space<vmem>>)
      %add3A_155 = arith.constant 128 : i32
      %add3A_156 = arith.addi %mul3A_86, %add3A_155 : i32
      %dma_wait3A_157 = arith.constant 1 : i32
      %dma_wait3A_158 = arith.constant 1 : i32
      %dma_wait3A_159 = arith.constant 0 : i32
      %dma_wait3A_160 = tpu.memref_slice %arg7[%dma_wait3A_158, %dma_wait3A_159] : memref<4x128xi32, #tpu.memory_space<vmem>> -> memref<1x128xi32, #tpu.memory_space<vmem>>
      %dma_wait3A_161 = tpu.memref_squeeze %dma_wait3A_160 : memref<1x128xi32, #tpu.memory_space<vmem>> -> memref<128xi32, #tpu.memory_space<vmem>>
      %dma_wait3A_162 = tpu.memref_slice %arg3[%dma_wait3A_157, %add3A_156] : memref<2x1600000xi32, #tpu.memory_space<hbm>> -> memref<1x128xi32, #tpu.memory_space<hbm>>
      %dma_wait3A_163 = tpu.memref_squeeze %dma_wait3A_162 : memref<1x128xi32, #tpu.memory_space<hbm>> -> memref<128xi32, #tpu.memory_space<hbm>>
      %dma_wait3A_164 = arith.constant 0 : i32
      %dma_wait3A_165 = tpu.memref_slice %arg7[%dma_wait3A_158, %dma_wait3A_164] : memref<4x128xi32, #tpu.memory_space<vmem>> -> memref<1x128xi32, #tpu.memory_space<vmem>>
      %dma_wait3A_166 = tpu.memref_squeeze %dma_wait3A_165 : memref<1x128xi32, #tpu.memory_space<vmem>> -> memref<128xi32, #tpu.memory_space<vmem>>
      %dma_wait3A_167 = tpu.memref_slice %arg3[%dma_wait3A_157, %add3A_156] : memref<2x1600000xi32, #tpu.memory_space<hbm>> -> memref<1x128xi32, #tpu.memory_space<hbm>>
      %dma_wait3A_168 = tpu.memref_squeeze %dma_wait3A_167 : memref<1x128xi32, #tpu.memory_space<hbm>> -> memref<128xi32, #tpu.memory_space<hbm>>
      tpu.wait_dma2 semaphore(%arg12 : memref<!tpu.dma_semaphore, #tpu.memory_space<semaphore_mem>>) src(%dma_wait3A_168 : memref<128xi32, #tpu.memory_space<hbm>>) dst(%dma_wait3A_166 : memref<128xi32, #tpu.memory_space<vmem>>)
      %add3A_169 = arith.constant 256 : i32
      %add3A_170 = arith.addi %mul3A_86, %add3A_169 : i32
      %dma_wait3A_171 = arith.constant 1 : i32
      %dma_wait3A_172 = arith.constant 2 : i32
      %dma_wait3A_173 = arith.constant 0 : i32
      %dma_wait3A_174 = tpu.memref_slice %arg7[%dma_wait3A_172, %dma_wait3A_173] : memref<4x128xi32, #tpu.memory_space<vmem>> -> memref<1x128xi32, #tpu.memory_space<vmem>>
      %dma_wait3A_175 = tpu.memref_squeeze %dma_wait3A_174 : memref<1x128xi32, #tpu.memory_space<vmem>> -> memref<128xi32, #tpu.memory_space<vmem>>
      %dma_wait3A_176 = tpu.memref_slice %arg3[%dma_wait3A_171, %add3A_170] : memref<2x1600000xi32, #tpu.memory_space<hbm>> -> memref<1x128xi32, #tpu.memory_space<hbm>>
      %dma_wait3A_177 = tpu.memref_squeeze %dma_wait3A_176 : memref<1x128xi32, #tpu.memory_space<hbm>> -> memref<128xi32, #tpu.memory_space<hbm>>
      %dma_wait3A_178 = arith.constant 0 : i32
      %dma_wait3A_179 = tpu.memref_slice %arg7[%dma_wait3A_172, %dma_wait3A_178] : memref<4x128xi32, #tpu.memory_space<vmem>> -> memref<1x128xi32, #tpu.memory_space<vmem>>
      %dma_wait3A_180 = tpu.memref_squeeze %dma_wait3A_179 : memref<1x128xi32, #tpu.memory_space<vmem>> -> memref<128xi32, #tpu.memory_space<vmem>>
      %dma_wait3A_181 = tpu.memref_slice %arg3[%dma_wait3A_171, %add3A_170] : memref<2x1600000xi32, #tpu.memory_space<hbm>> -> memref<1x128xi32, #tpu.memory_space<hbm>>
      %dma_wait3A_182 = tpu.memref_squeeze %dma_wait3A_181 : memref<1x128xi32, #tpu.memory_space<hbm>> -> memref<128xi32, #tpu.memory_space<hbm>>
      tpu.wait_dma2 semaphore(%arg12 : memref<!tpu.dma_semaphore, #tpu.memory_space<semaphore_mem>>) src(%dma_wait3A_182 : memref<128xi32, #tpu.memory_space<hbm>>) dst(%dma_wait3A_180 : memref<128xi32, #tpu.memory_space<vmem>>)
      %add3A_183 = arith.constant 384 : i32
      %add3A_184 = arith.addi %mul3A_86, %add3A_183 : i32
      %dma_wait3A_185 = arith.constant 1 : i32
      %dma_wait3A_186 = arith.constant 3 : i32
      %dma_wait3A_187 = arith.constant 0 : i32
      %dma_wait3A_188 = tpu.memref_slice %arg7[%dma_wait3A_186, %dma_wait3A_187] : memref<4x128xi32, #tpu.memory_space<vmem>> -> memref<1x128xi32, #tpu.memory_space<vmem>>
      %dma_wait3A_189 = tpu.memref_squeeze %dma_wait3A_188 : memref<1x128xi32, #tpu.memory_space<vmem>> -> memref<128xi32, #tpu.memory_space<vmem>>
      %dma_wait3A_190 = tpu.memref_slice %arg3[%dma_wait3A_185, %add3A_184] : memref<2x1600000xi32, #tpu.memory_space<hbm>> -> memref<1x128xi32, #tpu.memory_space<hbm>>
      %dma_wait3A_191 = tpu.memref_squeeze %dma_wait3A_190 : memref<1x128xi32, #tpu.memory_space<hbm>> -> memref<128xi32, #tpu.memory_space<hbm>>
      %dma_wait3A_192 = arith.constant 0 : i32
      %dma_wait3A_193 = tpu.memref_slice %arg7[%dma_wait3A_186, %dma_wait3A_192] : memref<4x128xi32, #tpu.memory_space<vmem>> -> memref<1x128xi32, #tpu.memory_space<vmem>>
      %dma_wait3A_194 = tpu.memref_squeeze %dma_wait3A_193 : memref<1x128xi32, #tpu.memory_space<vmem>> -> memref<128xi32, #tpu.memory_space<vmem>>
      %dma_wait3A_195 = tpu.memref_slice %arg3[%dma_wait3A_185, %add3A_184] : memref<2x1600000xi32, #tpu.memory_space<hbm>> -> memref<1x128xi32, #tpu.memory_space<hbm>>
      %dma_wait3A_196 = tpu.memref_squeeze %dma_wait3A_195 : memref<1x128xi32, #tpu.memory_space<hbm>> -> memref<128xi32, #tpu.memory_space<hbm>>
      tpu.wait_dma2 semaphore(%arg12 : memref<!tpu.dma_semaphore, #tpu.memory_space<semaphore_mem>>) src(%dma_wait3A_196 : memref<128xi32, #tpu.memory_space<hbm>>) dst(%dma_wait3A_194 : memref<128xi32, #tpu.memory_space<vmem>>)
      %dma_start3A_197 = arith.constant 0 : i32
      %dma_start3A_198 = arith.constant 0 : i32
      %dma_start3A_199 = arith.constant 0 : i32
      %dma_start3A_200 = tpu.memref_slice %arg8[%dma_start3A_197, %dma_start3A_198, %dma_start3A_199] : memref<4x128x16xf32, #tpu.memory_space<vmem>> -> memref<1x128x16xf32, #tpu.memory_space<vmem>>
      %dma_start3A_201 = tpu.memref_squeeze %dma_start3A_200 : memref<1x128x16xf32, #tpu.memory_space<vmem>> -> memref<128x16xf32, #tpu.memory_space<vmem>>
      %dma_start3A_202 = arith.constant 0 : i32
      %dma_start3A_203 = tpu.memref_slice %arg6[%dma_start3A_202] : memref<512xi32, #tpu.memory_space<vmem>> -> memref<128xi32, #tpu.memory_space<vmem>>
      %dma_start3A_204 = arith.constant 0 : i32
      %dma_start3A_205 = arith.constant 0 : i32
      %dma_start3A_206 = tpu.memref_slice %arg2[%dma_start3A_204, %dma_start3A_205] : memref<100352x16xf32, #tpu.memory_space<hbm>> -> memref<100352x16xf32, #tpu.memory_space<hbm>>
      tpu.enqueue_indirect_dma source(%dma_start3A_206 : memref<100352x16xf32, #tpu.memory_space<hbm>>) target(%dma_start3A_201 : memref<128x16xf32, #tpu.memory_space<vmem>>) offsets(%dma_start3A_203 : memref<128xi32, #tpu.memory_space<vmem>>) semaphore(%arg10 : memref<!tpu.dma_semaphore, #tpu.memory_space<semaphore_mem>>)
      %dma_start3A_207 = arith.constant 1 : i32
      %dma_start3A_208 = arith.constant 0 : i32
      %dma_start3A_209 = arith.constant 0 : i32
      %dma_start3A_210 = tpu.memref_slice %arg8[%dma_start3A_207, %dma_start3A_208, %dma_start3A_209] : memref<4x128x16xf32, #tpu.memory_space<vmem>> -> memref<1x128x16xf32, #tpu.memory_space<vmem>>
      %dma_start3A_211 = tpu.memref_squeeze %dma_start3A_210 : memref<1x128x16xf32, #tpu.memory_space<vmem>> -> memref<128x16xf32, #tpu.memory_space<vmem>>
      %dma_start3A_212 = arith.constant 128 : i32
      %dma_start3A_213 = tpu.memref_slice %arg6[%dma_start3A_212] : memref<512xi32, #tpu.memory_space<vmem>> -> memref<128xi32, #tpu.memory_space<vmem>>
      %dma_start3A_214 = arith.constant 0 : i32
      %dma_start3A_215 = arith.constant 0 : i32
      %dma_start3A_216 = tpu.memref_slice %arg2[%dma_start3A_214, %dma_start3A_215] : memref<100352x16xf32, #tpu.memory_space<hbm>> -> memref<100352x16xf32, #tpu.memory_space<hbm>>
      tpu.enqueue_indirect_dma source(%dma_start3A_216 : memref<100352x16xf32, #tpu.memory_space<hbm>>) target(%dma_start3A_211 : memref<128x16xf32, #tpu.memory_space<vmem>>) offsets(%dma_start3A_213 : memref<128xi32, #tpu.memory_space<vmem>>) semaphore(%arg10 : memref<!tpu.dma_semaphore, #tpu.memory_space<semaphore_mem>>)
      %dma_wait3A_217 = arith.constant 0 : i32
      %dma_wait3A_218 = arith.constant 0 : i32
      %dma_wait3A_219 = arith.constant 0 : i32
      %dma_wait3A_220 = tpu.memref_slice %arg8[%dma_wait3A_217, %dma_wait3A_218, %dma_wait3A_219] : memref<4x128x16xf32, #tpu.memory_space<vmem>> -> memref<1x128x16xf32, #tpu.memory_space<vmem>>
      %dma_wait3A_221 = tpu.memref_squeeze %dma_wait3A_220 : memref<1x128x16xf32, #tpu.memory_space<vmem>> -> memref<128x16xf32, #tpu.memory_space<vmem>>
      %dma_wait3A_222 = arith.constant 0 : i32
      %dma_wait3A_223 = tpu.memref_slice %arg6[%dma_wait3A_222] : memref<512xi32, #tpu.memory_space<vmem>> -> memref<128xi32, #tpu.memory_space<vmem>>
      %dma_wait3A_224 = arith.constant 0 : i32
      %dma_wait3A_225 = arith.constant 0 : i32
      %dma_wait3A_226 = tpu.memref_slice %arg2[%dma_wait3A_224, %dma_wait3A_225] : memref<100352x16xf32, #tpu.memory_space<hbm>> -> memref<100352x16xf32, #tpu.memory_space<hbm>>
      tpu.wait_indirect_dma semaphore(%arg10 : memref<!tpu.dma_semaphore, #tpu.memory_space<semaphore_mem>>) src(%dma_wait3A_226 : memref<100352x16xf32, #tpu.memory_space<hbm>>) dst(%dma_wait3A_221 : memref<128x16xf32, #tpu.memory_space<vmem>>)
      %dma_start3A_227 = arith.constant 0 : i32
      %dma_start3A_228 = arith.constant 0 : i32
      %dma_start3A_229 = arith.constant 0 : i32
      %dma_start3A_230 = arith.constant 0 : i32
      %dma_start3A_231 = tpu.memref_slice %arg8[%dma_start3A_227, %dma_start3A_229, %dma_start3A_230] : memref<4x128x16xf32, #tpu.memory_space<vmem>> -> memref<1x128x16xf32, #tpu.memory_space<vmem>>
      %dma_start3A_232 = tpu.memref_squeeze %dma_start3A_231 : memref<1x128x16xf32, #tpu.memory_space<vmem>> -> memref<128x16xf32, #tpu.memory_space<vmem>>
      %dma_start3A_233 = arith.constant 0 : i32
      %dma_start3A_234 = tpu.memref_slice %arg7[%dma_start3A_228, %dma_start3A_233] : memref<4x128xi32, #tpu.memory_space<vmem>> -> memref<1x128xi32, #tpu.memory_space<vmem>>
      %dma_start3A_235 = tpu.memref_squeeze %dma_start3A_234 : memref<1x128xi32, #tpu.memory_space<vmem>> -> memref<128xi32, #tpu.memory_space<vmem>>
      %dma_start3A_236 = arith.constant 0 : i32
      %dma_start3A_237 = arith.constant 0 : i32
      %dma_start3A_238 = tpu.memref_slice %arg9[%dma_start3A_236, %dma_start3A_237] : memref<100352x16xf32, #tpu.memory_space<vmem_shared>> -> memref<100352x16xf32, #tpu.memory_space<vmem_shared>>
      tpu.enqueue_indirect_dma source(%dma_start3A_232 : memref<128x16xf32, #tpu.memory_space<vmem>>) target(%dma_start3A_238 : memref<100352x16xf32, #tpu.memory_space<vmem_shared>>) offsets(%dma_start3A_235 : memref<128xi32, #tpu.memory_space<vmem>>) semaphore(%arg11 : memref<!tpu.dma_semaphore, #tpu.memory_space<semaphore_mem>>) {add = true}
      %dma_start3A_239 = arith.constant 2 : i32
      %dma_start3A_240 = arith.constant 0 : i32
      %dma_start3A_241 = arith.constant 0 : i32
      %dma_start3A_242 = tpu.memref_slice %arg8[%dma_start3A_239, %dma_start3A_240, %dma_start3A_241] : memref<4x128x16xf32, #tpu.memory_space<vmem>> -> memref<1x128x16xf32, #tpu.memory_space<vmem>>
      %dma_start3A_243 = tpu.memref_squeeze %dma_start3A_242 : memref<1x128x16xf32, #tpu.memory_space<vmem>> -> memref<128x16xf32, #tpu.memory_space<vmem>>
      %dma_start3A_244 = arith.constant 256 : i32
      %dma_start3A_245 = tpu.memref_slice %arg6[%dma_start3A_244] : memref<512xi32, #tpu.memory_space<vmem>> -> memref<128xi32, #tpu.memory_space<vmem>>
      %dma_start3A_246 = arith.constant 0 : i32
      %dma_start3A_247 = arith.constant 0 : i32
      %dma_start3A_248 = tpu.memref_slice %arg2[%dma_start3A_246, %dma_start3A_247] : memref<100352x16xf32, #tpu.memory_space<hbm>> -> memref<100352x16xf32, #tpu.memory_space<hbm>>
      tpu.enqueue_indirect_dma source(%dma_start3A_248 : memref<100352x16xf32, #tpu.memory_space<hbm>>) target(%dma_start3A_243 : memref<128x16xf32, #tpu.memory_space<vmem>>) offsets(%dma_start3A_245 : memref<128xi32, #tpu.memory_space<vmem>>) semaphore(%arg10 : memref<!tpu.dma_semaphore, #tpu.memory_space<semaphore_mem>>)
      %dma_wait3A_249 = arith.constant 1 : i32
      %dma_wait3A_250 = arith.constant 0 : i32
      %dma_wait3A_251 = arith.constant 0 : i32
      %dma_wait3A_252 = tpu.memref_slice %arg8[%dma_wait3A_249, %dma_wait3A_250, %dma_wait3A_251] : memref<4x128x16xf32, #tpu.memory_space<vmem>> -> memref<1x128x16xf32, #tpu.memory_space<vmem>>
      %dma_wait3A_253 = tpu.memref_squeeze %dma_wait3A_252 : memref<1x128x16xf32, #tpu.memory_space<vmem>> -> memref<128x16xf32, #tpu.memory_space<vmem>>
      %dma_wait3A_254 = arith.constant 128 : i32
      %dma_wait3A_255 = tpu.memref_slice %arg6[%dma_wait3A_254] : memref<512xi32, #tpu.memory_space<vmem>> -> memref<128xi32, #tpu.memory_space<vmem>>
      %dma_wait3A_256 = arith.constant 0 : i32
      %dma_wait3A_257 = arith.constant 0 : i32
      %dma_wait3A_258 = tpu.memref_slice %arg2[%dma_wait3A_256, %dma_wait3A_257] : memref<100352x16xf32, #tpu.memory_space<hbm>> -> memref<100352x16xf32, #tpu.memory_space<hbm>>
      tpu.wait_indirect_dma semaphore(%arg10 : memref<!tpu.dma_semaphore, #tpu.memory_space<semaphore_mem>>) src(%dma_wait3A_258 : memref<100352x16xf32, #tpu.memory_space<hbm>>) dst(%dma_wait3A_253 : memref<128x16xf32, #tpu.memory_space<vmem>>)
      %dma_start3A_259 = arith.constant 1 : i32
      %dma_start3A_260 = arith.constant 1 : i32
      %dma_start3A_261 = arith.constant 0 : i32
      %dma_start3A_262 = arith.constant 0 : i32
      %dma_start3A_263 = tpu.memref_slice %arg8[%dma_start3A_259, %dma_start3A_261, %dma_start3A_262] : memref<4x128x16xf32, #tpu.memory_space<vmem>> -> memref<1x128x16xf32, #tpu.memory_space<vmem>>
      %dma_start3A_264 = tpu.memref_squeeze %dma_start3A_263 : memref<1x128x16xf32, #tpu.memory_space<vmem>> -> memref<128x16xf32, #tpu.memory_space<vmem>>
      %dma_start3A_265 = arith.constant 0 : i32
      %dma_start3A_266 = tpu.memref_slice %arg7[%dma_start3A_260, %dma_start3A_265] : memref<4x128xi32, #tpu.memory_space<vmem>> -> memref<1x128xi32, #tpu.memory_space<vmem>>
      %dma_start3A_267 = tpu.memref_squeeze %dma_start3A_266 : memref<1x128xi32, #tpu.memory_space<vmem>> -> memref<128xi32, #tpu.memory_space<vmem>>
      %dma_start3A_268 = arith.constant 0 : i32
      %dma_start3A_269 = arith.constant 0 : i32
      %dma_start3A_270 = tpu.memref_slice %arg9[%dma_start3A_268, %dma_start3A_269] : memref<100352x16xf32, #tpu.memory_space<vmem_shared>> -> memref<100352x16xf32, #tpu.memory_space<vmem_shared>>
      tpu.enqueue_indirect_dma source(%dma_start3A_264 : memref<128x16xf32, #tpu.memory_space<vmem>>) target(%dma_start3A_270 : memref<100352x16xf32, #tpu.memory_space<vmem_shared>>) offsets(%dma_start3A_267 : memref<128xi32, #tpu.memory_space<vmem>>) semaphore(%arg11 : memref<!tpu.dma_semaphore, #tpu.memory_space<semaphore_mem>>) {add = true}
      %dma_start3A_271 = arith.constant 3 : i32
      %dma_start3A_272 = arith.constant 0 : i32
      %dma_start3A_273 = arith.constant 0 : i32
      %dma_start3A_274 = tpu.memref_slice %arg8[%dma_start3A_271, %dma_start3A_272, %dma_start3A_273] : memref<4x128x16xf32, #tpu.memory_space<vmem>> -> memref<1x128x16xf32, #tpu.memory_space<vmem>>
      %dma_start3A_275 = tpu.memref_squeeze %dma_start3A_274 : memref<1x128x16xf32, #tpu.memory_space<vmem>> -> memref<128x16xf32, #tpu.memory_space<vmem>>
      %dma_start3A_276 = arith.constant 384 : i32
      %dma_start3A_277 = tpu.memref_slice %arg6[%dma_start3A_276] : memref<512xi32, #tpu.memory_space<vmem>> -> memref<128xi32, #tpu.memory_space<vmem>>
      %dma_start3A_278 = arith.constant 0 : i32
      %dma_start3A_279 = arith.constant 0 : i32
      %dma_start3A_280 = tpu.memref_slice %arg2[%dma_start3A_278, %dma_start3A_279] : memref<100352x16xf32, #tpu.memory_space<hbm>> -> memref<100352x16xf32, #tpu.memory_space<hbm>>
      tpu.enqueue_indirect_dma source(%dma_start3A_280 : memref<100352x16xf32, #tpu.memory_space<hbm>>) target(%dma_start3A_275 : memref<128x16xf32, #tpu.memory_space<vmem>>) offsets(%dma_start3A_277 : memref<128xi32, #tpu.memory_space<vmem>>) semaphore(%arg10 : memref<!tpu.dma_semaphore, #tpu.memory_space<semaphore_mem>>)
      %dma_wait3A_281 = arith.constant 2 : i32
      %dma_wait3A_282 = arith.constant 0 : i32
      %dma_wait3A_283 = arith.constant 0 : i32
      %dma_wait3A_284 = tpu.memref_slice %arg8[%dma_wait3A_281, %dma_wait3A_282, %dma_wait3A_283] : memref<4x128x16xf32, #tpu.memory_space<vmem>> -> memref<1x128x16xf32, #tpu.memory_space<vmem>>
      %dma_wait3A_285 = tpu.memref_squeeze %dma_wait3A_284 : memref<1x128x16xf32, #tpu.memory_space<vmem>> -> memref<128x16xf32, #tpu.memory_space<vmem>>
      %dma_wait3A_286 = arith.constant 256 : i32
      %dma_wait3A_287 = tpu.memref_slice %arg6[%dma_wait3A_286] : memref<512xi32, #tpu.memory_space<vmem>> -> memref<128xi32, #tpu.memory_space<vmem>>
      %dma_wait3A_288 = arith.constant 0 : i32
      %dma_wait3A_289 = arith.constant 0 : i32
      %dma_wait3A_290 = tpu.memref_slice %arg2[%dma_wait3A_288, %dma_wait3A_289] : memref<100352x16xf32, #tpu.memory_space<hbm>> -> memref<100352x16xf32, #tpu.memory_space<hbm>>
      tpu.wait_indirect_dma semaphore(%arg10 : memref<!tpu.dma_semaphore, #tpu.memory_space<semaphore_mem>>) src(%dma_wait3A_290 : memref<100352x16xf32, #tpu.memory_space<hbm>>) dst(%dma_wait3A_285 : memref<128x16xf32, #tpu.memory_space<vmem>>)
      %dma_start3A_291 = arith.constant 2 : i32
      %dma_start3A_292 = arith.constant 2 : i32
      %dma_start3A_293 = arith.constant 0 : i32
      %dma_start3A_294 = arith.constant 0 : i32
      %dma_start3A_295 = tpu.memref_slice %arg8[%dma_start3A_291, %dma_start3A_293, %dma_start3A_294] : memref<4x128x16xf32, #tpu.memory_space<vmem>> -> memref<1x128x16xf32, #tpu.memory_space<vmem>>
      %dma_start3A_296 = tpu.memref_squeeze %dma_start3A_295 : memref<1x128x16xf32, #tpu.memory_space<vmem>> -> memref<128x16xf32, #tpu.memory_space<vmem>>
      %dma_start3A_297 = arith.constant 0 : i32
      %dma_start3A_298 = tpu.memref_slice %arg7[%dma_start3A_292, %dma_start3A_297] : memref<4x128xi32, #tpu.memory_space<vmem>> -> memref<1x128xi32, #tpu.memory_space<vmem>>
      %dma_start3A_299 = tpu.memref_squeeze %dma_start3A_298 : memref<1x128xi32, #tpu.memory_space<vmem>> -> memref<128xi32, #tpu.memory_space<vmem>>
      %dma_start3A_300 = arith.constant 0 : i32
      %dma_start3A_301 = arith.constant 0 : i32
      %dma_start3A_302 = tpu.memref_slice %arg9[%dma_start3A_300, %dma_start3A_301] : memref<100352x16xf32, #tpu.memory_space<vmem_shared>> -> memref<100352x16xf32, #tpu.memory_space<vmem_shared>>
      tpu.enqueue_indirect_dma source(%dma_start3A_296 : memref<128x16xf32, #tpu.memory_space<vmem>>) target(%dma_start3A_302 : memref<100352x16xf32, #tpu.memory_space<vmem_shared>>) offsets(%dma_start3A_299 : memref<128xi32, #tpu.memory_space<vmem>>) semaphore(%arg11 : memref<!tpu.dma_semaphore, #tpu.memory_space<semaphore_mem>>) {add = true}
      %dma_wait3A_303 = arith.constant 3 : i32
      %dma_wait3A_304 = arith.constant 0 : i32
      %dma_wait3A_305 = arith.constant 0 : i32
      %dma_wait3A_306 = tpu.memref_slice %arg8[%dma_wait3A_303, %dma_wait3A_304, %dma_wait3A_305] : memref<4x128x16xf32, #tpu.memory_space<vmem>> -> memref<1x128x16xf32, #tpu.memory_space<vmem>>
      %dma_wait3A_307 = tpu.memref_squeeze %dma_wait3A_306 : memref<1x128x16xf32, #tpu.memory_space<vmem>> -> memref<128x16xf32, #tpu.memory_space<vmem>>
      %dma_wait3A_308 = arith.constant 384 : i32
      %dma_wait3A_309 = tpu.memref_slice %arg6[%dma_wait3A_308] : memref<512xi32, #tpu.memory_space<vmem>> -> memref<128xi32, #tpu.memory_space<vmem>>
      %dma_wait3A_310 = arith.constant 0 : i32
      %dma_wait3A_311 = arith.constant 0 : i32
      %dma_wait3A_312 = tpu.memref_slice %arg2[%dma_wait3A_310, %dma_wait3A_311] : memref<100352x16xf32, #tpu.memory_space<hbm>> -> memref<100352x16xf32, #tpu.memory_space<hbm>>
      tpu.wait_indirect_dma semaphore(%arg10 : memref<!tpu.dma_semaphore, #tpu.memory_space<semaphore_mem>>) src(%dma_wait3A_312 : memref<100352x16xf32, #tpu.memory_space<hbm>>) dst(%dma_wait3A_307 : memref<128x16xf32, #tpu.memory_space<vmem>>)
      %dma_start3A_313 = arith.constant 3 : i32
      %dma_start3A_314 = arith.constant 3 : i32
      %dma_start3A_315 = arith.constant 0 : i32
      %dma_start3A_316 = arith.constant 0 : i32
      %dma_start3A_317 = tpu.memref_slice %arg8[%dma_start3A_313, %dma_start3A_315, %dma_start3A_316] : memref<4x128x16xf32, #tpu.memory_space<vmem>> -> memref<1x128x16xf32, #tpu.memory_space<vmem>>
      %dma_start3A_318 = tpu.memref_squeeze %dma_start3A_317 : memref<1x128x16xf32, #tpu.memory_space<vmem>> -> memref<128x16xf32, #tpu.memory_space<vmem>>
      %dma_start3A_319 = arith.constant 0 : i32
      %dma_start3A_320 = tpu.memref_slice %arg7[%dma_start3A_314, %dma_start3A_319] : memref<4x128xi32, #tpu.memory_space<vmem>> -> memref<1x128xi32, #tpu.memory_space<vmem>>
      %dma_start3A_321 = tpu.memref_squeeze %dma_start3A_320 : memref<1x128xi32, #tpu.memory_space<vmem>> -> memref<128xi32, #tpu.memory_space<vmem>>
      %dma_start3A_322 = arith.constant 0 : i32
      %dma_start3A_323 = arith.constant 0 : i32
      %dma_start3A_324 = tpu.memref_slice %arg9[%dma_start3A_322, %dma_start3A_323] : memref<100352x16xf32, #tpu.memory_space<vmem_shared>> -> memref<100352x16xf32, #tpu.memory_space<vmem_shared>>
      tpu.enqueue_indirect_dma source(%dma_start3A_318 : memref<128x16xf32, #tpu.memory_space<vmem>>) target(%dma_start3A_324 : memref<100352x16xf32, #tpu.memory_space<vmem_shared>>) offsets(%dma_start3A_321 : memref<128xi32, #tpu.memory_space<vmem>>) semaphore(%arg11 : memref<!tpu.dma_semaphore, #tpu.memory_space<semaphore_mem>>) {add = true}
      %dma_wait3A_325 = arith.constant 0 : i32
      %dma_wait3A_326 = arith.constant 0 : i32
      %dma_wait3A_327 = arith.constant 0 : i32
      %dma_wait3A_328 = arith.constant 0 : i32
      %dma_wait3A_329 = tpu.memref_slice %arg8[%dma_wait3A_325, %dma_wait3A_327, %dma_wait3A_328] : memref<4x128x16xf32, #tpu.memory_space<vmem>> -> memref<1x128x16xf32, #tpu.memory_space<vmem>>
      %dma_wait3A_330 = tpu.memref_squeeze %dma_wait3A_329 : memref<1x128x16xf32, #tpu.memory_space<vmem>> -> memref<128x16xf32, #tpu.memory_space<vmem>>
      %dma_wait3A_331 = arith.constant 0 : i32
      %dma_wait3A_332 = tpu.memref_slice %arg7[%dma_wait3A_326, %dma_wait3A_331] : memref<4x128xi32, #tpu.memory_space<vmem>> -> memref<1x128xi32, #tpu.memory_space<vmem>>
      %dma_wait3A_333 = tpu.memref_squeeze %dma_wait3A_332 : memref<1x128xi32, #tpu.memory_space<vmem>> -> memref<128xi32, #tpu.memory_space<vmem>>
      %dma_wait3A_334 = arith.constant 0 : i32
      %dma_wait3A_335 = arith.constant 0 : i32
      %dma_wait3A_336 = tpu.memref_slice %arg9[%dma_wait3A_334, %dma_wait3A_335] : memref<100352x16xf32, #tpu.memory_space<vmem_shared>> -> memref<100352x16xf32, #tpu.memory_space<vmem_shared>>
      tpu.wait_indirect_dma semaphore(%arg11 : memref<!tpu.dma_semaphore, #tpu.memory_space<semaphore_mem>>) src(%dma_wait3A_330 : memref<128x16xf32, #tpu.memory_space<vmem>>) dst(%dma_wait3A_336 : memref<100352x16xf32, #tpu.memory_space<vmem_shared>>)
      %dma_wait3A_337 = arith.constant 1 : i32
      %dma_wait3A_338 = arith.constant 1 : i32
      %dma_wait3A_339 = arith.constant 0 : i32
      %dma_wait3A_340 = arith.constant 0 : i32
      %dma_wait3A_341 = tpu.memref_slice %arg8[%dma_wait3A_337, %dma_wait3A_339, %dma_wait3A_340] : memref<4x128x16xf32, #tpu.memory_space<vmem>> -> memref<1x128x16xf32, #tpu.memory_space<vmem>>
      %dma_wait3A_342 = tpu.memref_squeeze %dma_wait3A_341 : memref<1x128x16xf32, #tpu.memory_space<vmem>> -> memref<128x16xf32, #tpu.memory_space<vmem>>
      %dma_wait3A_343 = arith.constant 0 : i32
      %dma_wait3A_344 = tpu.memref_slice %arg7[%dma_wait3A_338, %dma_wait3A_343] : memref<4x128xi32, #tpu.memory_space<vmem>> -> memref<1x128xi32, #tpu.memory_space<vmem>>
      %dma_wait3A_345 = tpu.memref_squeeze %dma_wait3A_344 : memref<1x128xi32, #tpu.memory_space<vmem>> -> memref<128xi32, #tpu.memory_space<vmem>>
      %dma_wait3A_346 = arith.constant 0 : i32
      %dma_wait3A_347 = arith.constant 0 : i32
      %dma_wait3A_348 = tpu.memref_slice %arg9[%dma_wait3A_346, %dma_wait3A_347] : memref<100352x16xf32, #tpu.memory_space<vmem_shared>> -> memref<100352x16xf32, #tpu.memory_space<vmem_shared>>
      tpu.wait_indirect_dma semaphore(%arg11 : memref<!tpu.dma_semaphore, #tpu.memory_space<semaphore_mem>>) src(%dma_wait3A_342 : memref<128x16xf32, #tpu.memory_space<vmem>>) dst(%dma_wait3A_348 : memref<100352x16xf32, #tpu.memory_space<vmem_shared>>)
      %dma_wait3A_349 = arith.constant 2 : i32
      %dma_wait3A_350 = arith.constant 2 : i32
      %dma_wait3A_351 = arith.constant 0 : i32
      %dma_wait3A_352 = arith.constant 0 : i32
      %dma_wait3A_353 = tpu.memref_slice %arg8[%dma_wait3A_349, %dma_wait3A_351, %dma_wait3A_352] : memref<4x128x16xf32, #tpu.memory_space<vmem>> -> memref<1x128x16xf32, #tpu.memory_space<vmem>>
      %dma_wait3A_354 = tpu.memref_squeeze %dma_wait3A_353 : memref<1x128x16xf32, #tpu.memory_space<vmem>> -> memref<128x16xf32, #tpu.memory_space<vmem>>
      %dma_wait3A_355 = arith.constant 0 : i32
      %dma_wait3A_356 = tpu.memref_slice %arg7[%dma_wait3A_350, %dma_wait3A_355] : memref<4x128xi32, #tpu.memory_space<vmem>> -> memref<1x128xi32, #tpu.memory_space<vmem>>
      %dma_wait3A_357 = tpu.memref_squeeze %dma_wait3A_356 : memref<1x128xi32, #tpu.memory_space<vmem>> -> memref<128xi32, #tpu.memory_space<vmem>>
      %dma_wait3A_358 = arith.constant 0 : i32
      %dma_wait3A_359 = arith.constant 0 : i32
      %dma_wait3A_360 = tpu.memref_slice %arg9[%dma_wait3A_358, %dma_wait3A_359] : memref<100352x16xf32, #tpu.memory_space<vmem_shared>> -> memref<100352x16xf32, #tpu.memory_space<vmem_shared>>
      tpu.wait_indirect_dma semaphore(%arg11 : memref<!tpu.dma_semaphore, #tpu.memory_space<semaphore_mem>>) src(%dma_wait3A_354 : memref<128x16xf32, #tpu.memory_space<vmem>>) dst(%dma_wait3A_360 : memref<100352x16xf32, #tpu.memory_space<vmem_shared>>)
      %dma_wait3A_361 = arith.constant 3 : i32
      %dma_wait3A_362 = arith.constant 3 : i32
      %dma_wait3A_363 = arith.constant 0 : i32
      %dma_wait3A_364 = arith.constant 0 : i32
      %dma_wait3A_365 = tpu.memref_slice %arg8[%dma_wait3A_361, %dma_wait3A_363, %dma_wait3A_364] : memref<4x128x16xf32, #tpu.memory_space<vmem>> -> memref<1x128x16xf32, #tpu.memory_space<vmem>>
      %dma_wait3A_366 = tpu.memref_squeeze %dma_wait3A_365 : memref<1x128x16xf32, #tpu.memory_space<vmem>> -> memref<128x16xf32, #tpu.memory_space<vmem>>
      %dma_wait3A_367 = arith.constant 0 : i32
      %dma_wait3A_368 = tpu.memref_slice %arg7[%dma_wait3A_362, %dma_wait3A_367] : memref<4x128xi32, #tpu.memory_space<vmem>> -> memref<1x128xi32, #tpu.memory_space<vmem>>
      %dma_wait3A_369 = tpu.memref_squeeze %dma_wait3A_368 : memref<1x128xi32, #tpu.memory_space<vmem>> -> memref<128xi32, #tpu.memory_space<vmem>>
      %dma_wait3A_370 = arith.constant 0 : i32
      %dma_wait3A_371 = arith.constant 0 : i32
      %dma_wait3A_372 = tpu.memref_slice %arg9[%dma_wait3A_370, %dma_wait3A_371] : memref<100352x16xf32, #tpu.memory_space<vmem_shared>> -> memref<100352x16xf32, #tpu.memory_space<vmem_shared>>
      tpu.wait_indirect_dma semaphore(%arg11 : memref<!tpu.dma_semaphore, #tpu.memory_space<semaphore_mem>>) src(%dma_wait3A_366 : memref<128x16xf32, #tpu.memory_space<vmem>>) dst(%dma_wait3A_372 : memref<100352x16xf32, #tpu.memory_space<vmem_shared>>)
    }
    %while3A_75 = arith.constant 1 : i32
    scf.for %while3A_81 = %while3A_73 to %while3A_69 step %while3A_75  : i32 {
      %mul3A_82 = arith.constant 4 : i32
      %mul3A_83 = arith.muli %while3A_81, %mul3A_82 : i32
      %add3A_84 = arith.addi %mul3A_22, %mul3A_83 : i32
      %mul3A_85 = arith.constant 128 : i32
      %mul3A_86 = arith.muli %add3A_84, %mul3A_85 : i32
      %run_scoped3A = arith.constant 0 : i32
      "tpu.region"() ({
        %run_scoped3A_373 = tpu.sem_alloc : memref<!tpu.dma_semaphore, #tpu.memory_space<semaphore_mem>>
        %dma_start3A_374 = tpu.memref_slice %arg3[%run_scoped3A, %mul3A_86] : memref<2x1600000xi32, #tpu.memory_space<hbm>> -> memref<1x512xi32, #tpu.memory_space<hbm>>
        %dma_start3A_375 = tpu.memref_squeeze %dma_start3A_374 : memref<1x512xi32, #tpu.memory_space<hbm>> -> memref<512xi32, #tpu.memory_space<hbm>>
        %dma_start3A_376 = tpu.memref_slice %arg3[%run_scoped3A, %mul3A_86] : memref<2x1600000xi32, #tpu.memory_space<hbm>> -> memref<1x512xi32, #tpu.memory_space<hbm>>
        %dma_start3A_377 = tpu.memref_squeeze %dma_start3A_376 : memref<1x512xi32, #tpu.memory_space<hbm>> -> memref<512xi32, #tpu.memory_space<hbm>>
        tpu.enqueue_dma source(%dma_start3A_377 : memref<512xi32, #tpu.memory_space<hbm>>) target(%arg6 : memref<512xi32, #tpu.memory_space<vmem>>) target_semaphore(%run_scoped3A_373 : memref<!tpu.dma_semaphore, #tpu.memory_space<semaphore_mem>>)
        %dma_wait3A_378 = tpu.memref_slice %arg3[%run_scoped3A, %mul3A_86] : memref<2x1600000xi32, #tpu.memory_space<hbm>> -> memref<1x512xi32, #tpu.memory_space<hbm>>
        %dma_wait3A_379 = tpu.memref_squeeze %dma_wait3A_378 : memref<1x512xi32, #tpu.memory_space<hbm>> -> memref<512xi32, #tpu.memory_space<hbm>>
        %dma_wait3A_380 = tpu.memref_slice %arg3[%run_scoped3A, %mul3A_86] : memref<2x1600000xi32, #tpu.memory_space<hbm>> -> memref<1x512xi32, #tpu.memory_space<hbm>>
        %dma_wait3A_381 = tpu.memref_squeeze %dma_wait3A_380 : memref<1x512xi32, #tpu.memory_space<hbm>> -> memref<512xi32, #tpu.memory_space<hbm>>
        tpu.wait_dma2 semaphore(%run_scoped3A_373 : memref<!tpu.dma_semaphore, #tpu.memory_space<semaphore_mem>>) src(%dma_wait3A_381 : memref<512xi32, #tpu.memory_space<hbm>>) dst(%arg6 : memref<512xi32, #tpu.memory_space<vmem>>)
        tpu.yield
      }) : () -> ()
      %add3A_87 = arith.constant 0 : i32
      %add3A_88 = arith.addi %mul3A_86, %add3A_87 : i32
      %dma_start3A = arith.constant 1 : i32
      %dma_start3A_89 = arith.constant 0 : i32
      %dma_start3A_90 = arith.constant 0 : i32
      %dma_start3A_91 = tpu.memref_slice %arg7[%dma_start3A_89, %dma_start3A_90] : memref<4x128xi32, #tpu.memory_space<vmem>> -> memref<1x128xi32, #tpu.memory_space<vmem>>
      %dma_start3A_92 = tpu.memref_squeeze %dma_start3A_91 : memref<1x128xi32, #tpu.memory_space<vmem>> -> memref<128xi32, #tpu.memory_space<vmem>>
      %dma_start3A_93 = tpu.memref_slice %arg3[%dma_start3A, %add3A_88] : memref<2x1600000xi32, #tpu.memory_space<hbm>> -> memref<1x128xi32, #tpu.memory_space<hbm>>
      %dma_start3A_94 = tpu.memref_squeeze %dma_start3A_93 : memref<1x128xi32, #tpu.memory_space<hbm>> -> memref<128xi32, #tpu.memory_space<hbm>>
      %dma_start3A_95 = arith.constant 0 : i32
      %dma_start3A_96 = tpu.memref_slice %arg7[%dma_start3A_89, %dma_start3A_95] : memref<4x128xi32, #tpu.memory_space<vmem>> -> memref<1x128xi32, #tpu.memory_space<vmem>>
      %dma_start3A_97 = tpu.memref_squeeze %dma_start3A_96 : memref<1x128xi32, #tpu.memory_space<vmem>> -> memref<128xi32, #tpu.memory_space<vmem>>
      %dma_start3A_98 = tpu.memref_slice %arg3[%dma_start3A, %add3A_88] : memref<2x1600000xi32, #tpu.memory_space<hbm>> -> memref<1x128xi32, #tpu.memory_space<hbm>>
      %dma_start3A_99 = tpu.memref_squeeze %dma_start3A_98 : memref<1x128xi32, #tpu.memory_space<hbm>> -> memref<128xi32, #tpu.memory_space<hbm>>
      tpu.enqueue_dma source(%dma_start3A_99 : memref<128xi32, #tpu.memory_space<hbm>>) target(%dma_start3A_97 : memref<128xi32, #tpu.memory_space<vmem>>) target_semaphore(%arg12 : memref<!tpu.dma_semaphore, #tpu.memory_space<semaphore_mem>>)
      %add3A_100 = arith.constant 128 : i32
      %add3A_101 = arith.addi %mul3A_86, %add3A_100 : i32
      %dma_start3A_102 = arith.constant 1 : i32
      %dma_start3A_103 = arith.constant 1 : i32
      %dma_start3A_104 = arith.constant 0 : i32
      %dma_start3A_105 = tpu.memref_slice %arg7[%dma_start3A_103, %dma_start3A_104] : memref<4x128xi32, #tpu.memory_space<vmem>> -> memref<1x128xi32, #tpu.memory_space<vmem>>
      %dma_start3A_106 = tpu.memref_squeeze %dma_start3A_105 : memref<1x128xi32, #tpu.memory_space<vmem>> -> memref<128xi32, #tpu.memory_space<vmem>>
      %dma_start3A_107 = tpu.memref_slice %arg3[%dma_start3A_102, %add3A_101] : memref<2x1600000xi32, #tpu.memory_space<hbm>> -> memref<1x128xi32, #tpu.memory_space<hbm>>
      %dma_start3A_108 = tpu.memref_squeeze %dma_start3A_107 : memref<1x128xi32, #tpu.memory_space<hbm>> -> memref<128xi32, #tpu.memory_space<hbm>>
      %dma_start3A_109 = arith.constant 0 : i32
      %dma_start3A_110 = tpu.memref_slice %arg7[%dma_start3A_103, %dma_start3A_109] : memref<4x128xi32, #tpu.memory_space<vmem>> -> memref<1x128xi32, #tpu.memory_space<vmem>>
      %dma_start3A_111 = tpu.memref_squeeze %dma_start3A_110 : memref<1x128xi32, #tpu.memory_space<vmem>> -> memref<128xi32, #tpu.memory_space<vmem>>
      %dma_start3A_112 = tpu.memref_slice %arg3[%dma_start3A_102, %add3A_101] : memref<2x1600000xi32, #tpu.memory_space<hbm>> -> memref<1x128xi32, #tpu.memory_space<hbm>>
      %dma_start3A_113 = tpu.memref_squeeze %dma_start3A_112 : memref<1x128xi32, #tpu.memory_space<hbm>> -> memref<128xi32, #tpu.memory_space<hbm>>
      tpu.enqueue_dma source(%dma_start3A_113 : memref<128xi32, #tpu.memory_space<hbm>>) target(%dma_start3A_111 : memref<128xi32, #tpu.memory_space<vmem>>) target_semaphore(%arg12 : memref<!tpu.dma_semaphore, #tpu.memory_space<semaphore_mem>>)
      %add3A_114 = arith.constant 256 : i32
      %add3A_115 = arith.addi %mul3A_86, %add3A_114 : i32
      %dma_start3A_116 = arith.constant 1 : i32
      %dma_start3A_117 = arith.constant 2 : i32
      %dma_start3A_118 = arith.constant 0 : i32
      %dma_start3A_119 = tpu.memref_slice %arg7[%dma_start3A_117, %dma_start3A_118] : memref<4x128xi32, #tpu.memory_space<vmem>> -> memref<1x128xi32, #tpu.memory_space<vmem>>
      %dma_start3A_120 = tpu.memref_squeeze %dma_start3A_119 : memref<1x128xi32, #tpu.memory_space<vmem>> -> memref<128xi32, #tpu.memory_space<vmem>>
      %dma_start3A_121 = tpu.memref_slice %arg3[%dma_start3A_116, %add3A_115] : memref<2x1600000xi32, #tpu.memory_space<hbm>> -> memref<1x128xi32, #tpu.memory_space<hbm>>
      %dma_start3A_122 = tpu.memref_squeeze %dma_start3A_121 : memref<1x128xi32, #tpu.memory_space<hbm>> -> memref<128xi32, #tpu.memory_space<hbm>>
      %dma_start3A_123 = arith.constant 0 : i32
      %dma_start3A_124 = tpu.memref_slice %arg7[%dma_start3A_117, %dma_start3A_123] : memref<4x128xi32, #tpu.memory_space<vmem>> -> memref<1x128xi32, #tpu.memory_space<vmem>>
      %dma_start3A_125 = tpu.memref_squeeze %dma_start3A_124 : memref<1x128xi32, #tpu.memory_space<vmem>> -> memref<128xi32, #tpu.memory_space<vmem>>
      %dma_start3A_126 = tpu.memref_slice %arg3[%dma_start3A_116, %add3A_115] : memref<2x1600000xi32, #tpu.memory_space<hbm>> -> memref<1x128xi32, #tpu.memory_space<hbm>>
      %dma_start3A_127 = tpu.memref_squeeze %dma_start3A_126 : memref<1x128xi32, #tpu.memory_space<hbm>> -> memref<128xi32, #tpu.memory_space<hbm>>
      tpu.enqueue_dma source(%dma_start3A_127 : memref<128xi32, #tpu.memory_space<hbm>>) target(%dma_start3A_125 : memref<128xi32, #tpu.memory_space<vmem>>) target_semaphore(%arg12 : memref<!tpu.dma_semaphore, #tpu.memory_space<semaphore_mem>>)
      %add3A_128 = arith.constant 384 : i32
      %add3A_129 = arith.addi %mul3A_86, %add3A_128 : i32
      %dma_start3A_130 = arith.constant 1 : i32
      %dma_start3A_131 = arith.constant 3 : i32
      %dma_start3A_132 = arith.constant 0 : i32
      %dma_start3A_133 = tpu.memref_slice %arg7[%dma_start3A_131, %dma_start3A_132] : memref<4x128xi32, #tpu.memory_space<vmem>> -> memref<1x128xi32, #tpu.memory_space<vmem>>
      %dma_start3A_134 = tpu.memref_squeeze %dma_start3A_133 : memref<1x128xi32, #tpu.memory_space<vmem>> -> memref<128xi32, #tpu.memory_space<vmem>>
      %dma_start3A_135 = tpu.memref_slice %arg3[%dma_start3A_130, %add3A_129] : memref<2x1600000xi32, #tpu.memory_space<hbm>> -> memref<1x128xi32, #tpu.memory_space<hbm>>
      %dma_start3A_136 = tpu.memref_squeeze %dma_start3A_135 : memref<1x128xi32, #tpu.memory_space<hbm>> -> memref<128xi32, #tpu.memory_space<hbm>>
      %dma_start3A_137 = arith.constant 0 : i32
      %dma_start3A_138 = tpu.memref_slice %arg7[%dma_start3A_131, %dma_start3A_137] : memref<4x128xi32, #tpu.memory_space<vmem>> -> memref<1x128xi32, #tpu.memory_space<vmem>>
      %dma_start3A_139 = tpu.memref_squeeze %dma_start3A_138 : memref<1x128xi32, #tpu.memory_space<vmem>> -> memref<128xi32, #tpu.memory_space<vmem>>
      %dma_start3A_140 = tpu.memref_slice %arg3[%dma_start3A_130, %add3A_129] : memref<2x1600000xi32, #tpu.memory_space<hbm>> -> memref<1x128xi32, #tpu.memory_space<hbm>>
      %dma_start3A_141 = tpu.memref_squeeze %dma_start3A_140 : memref<1x128xi32, #tpu.memory_space<hbm>> -> memref<128xi32, #tpu.memory_space<hbm>>
      tpu.enqueue_dma source(%dma_start3A_141 : memref<128xi32, #tpu.memory_space<hbm>>) target(%dma_start3A_139 : memref<128xi32, #tpu.memory_space<vmem>>) target_semaphore(%arg12 : memref<!tpu.dma_semaphore, #tpu.memory_space<semaphore_mem>>)
      %add3A_142 = arith.constant 0 : i32
      %add3A_143 = arith.addi %mul3A_86, %add3A_142 : i32
      %dma_wait3A = arith.constant 1 : i32
      %dma_wait3A_144 = arith.constant 0 : i32
      %dma_wait3A_145 = arith.constant 0 : i32
      %dma_wait3A_146 = tpu.memref_slice %arg7[%dma_wait3A_144, %dma_wait3A_145] : memref<4x128xi32, #tpu.memory_space<vmem>> -> memref<1x128xi32, #tpu.memory_space<vmem>>
      %dma_wait3A_147 = tpu.memref_squeeze %dma_wait3A_146 : memref<1x128xi32, #tpu.memory_space<vmem>> -> memref<128xi32, #tpu.memory_space<vmem>>
      %dma_wait3A_148 = tpu.memref_slice %arg3[%dma_wait3A, %add3A_143] : memref<2x1600000xi32, #tpu.memory_space<hbm>> -> memref<1x128xi32, #tpu.memory_space<hbm>>
      %dma_wait3A_149 = tpu.memref_squeeze %dma_wait3A_148 : memref<1x128xi32, #tpu.memory_space<hbm>> -> memref<128xi32, #tpu.memory_space<hbm>>
      %dma_wait3A_150 = arith.constant 0 : i32
      %dma_wait3A_151 = tpu.memref_slice %arg7[%dma_wait3A_144, %dma_wait3A_150] : memref<4x128xi32, #tpu.memory_space<vmem>> -> memref<1x128xi32, #tpu.memory_space<vmem>>
      %dma_wait3A_152 = tpu.memref_squeeze %dma_wait3A_151 : memref<1x128xi32, #tpu.memory_space<vmem>> -> memref<128xi32, #tpu.memory_space<vmem>>
      %dma_wait3A_153 = tpu.memref_slice %arg3[%dma_wait3A, %add3A_143] : memref<2x1600000xi32, #tpu.memory_space<hbm>> -> memref<1x128xi32, #tpu.memory_space<hbm>>
      %dma_wait3A_154 = tpu.memref_squeeze %dma_wait3A_153 : memref<1x128xi32, #tpu.memory_space<hbm>> -> memref<128xi32, #tpu.memory_space<hbm>>
      tpu.wait_dma2 semaphore(%arg12 : memref<!tpu.dma_semaphore, #tpu.memory_space<semaphore_mem>>) src(%dma_wait3A_154 : memref<128xi32, #tpu.memory_space<hbm>>) dst(%dma_wait3A_152 : memref<128xi32, #tpu.memory_space<vmem>>)
      %add3A_155 = arith.constant 128 : i32
      %add3A_156 = arith.addi %mul3A_86, %add3A_155 : i32
      %dma_wait3A_157 = arith.constant 1 : i32
      %dma_wait3A_158 = arith.constant 1 : i32
      %dma_wait3A_159 = arith.constant 0 : i32
      %dma_wait3A_160 = tpu.memref_slice %arg7[%dma_wait3A_158, %dma_wait3A_159] : memref<4x128xi32, #tpu.memory_space<vmem>> -> memref<1x128xi32, #tpu.memory_space<vmem>>
      %dma_wait3A_161 = tpu.memref_squeeze %dma_wait3A_160 : memref<1x128xi32, #tpu.memory_space<vmem>> -> memref<128xi32, #tpu.memory_space<vmem>>
      %dma_wait3A_162 = tpu.memref_slice %arg3[%dma_wait3A_157, %add3A_156] : memref<2x1600000xi32, #tpu.memory_space<hbm>> -> memref<1x128xi32, #tpu.memory_space<hbm>>
      %dma_wait3A_163 = tpu.memref_squeeze %dma_wait3A_162 : memref<1x128xi32, #tpu.memory_space<hbm>> -> memref<128xi32, #tpu.memory_space<hbm>>
      %dma_wait3A_164 = arith.constant 0 : i32
      %dma_wait3A_165 = tpu.memref_slice %arg7[%dma_wait3A_158, %dma_wait3A_164] : memref<4x128xi32, #tpu.memory_space<vmem>> -> memref<1x128xi32, #tpu.memory_space<vmem>>
      %dma_wait3A_166 = tpu.memref_squeeze %dma_wait3A_165 : memref<1x128xi32, #tpu.memory_space<vmem>> -> memref<128xi32, #tpu.memory_space<vmem>>
      %dma_wait3A_167 = tpu.memref_slice %arg3[%dma_wait3A_157, %add3A_156] : memref<2x1600000xi32, #tpu.memory_space<hbm>> -> memref<1x128xi32, #tpu.memory_space<hbm>>
      %dma_wait3A_168 = tpu.memref_squeeze %dma_wait3A_167 : memref<1x128xi32, #tpu.memory_space<hbm>> -> memref<128xi32, #tpu.memory_space<hbm>>
      tpu.wait_dma2 semaphore(%arg12 : memref<!tpu.dma_semaphore, #tpu.memory_space<semaphore_mem>>) src(%dma_wait3A_168 : memref<128xi32, #tpu.memory_space<hbm>>) dst(%dma_wait3A_166 : memref<128xi32, #tpu.memory_space<vmem>>)
      %add3A_169 = arith.constant 256 : i32
      %add3A_170 = arith.addi %mul3A_86, %add3A_169 : i32
      %dma_wait3A_171 = arith.constant 1 : i32
      %dma_wait3A_172 = arith.constant 2 : i32
      %dma_wait3A_173 = arith.constant 0 : i32
      %dma_wait3A_174 = tpu.memref_slice %arg7[%dma_wait3A_172, %dma_wait3A_173] : memref<4x128xi32, #tpu.memory_space<vmem>> -> memref<1x128xi32, #tpu.memory_space<vmem>>
      %dma_wait3A_175 = tpu.memref_squeeze %dma_wait3A_174 : memref<1x128xi32, #tpu.memory_space<vmem>> -> memref<128xi32, #tpu.memory_space<vmem>>
      %dma_wait3A_176 = tpu.memref_slice %arg3[%dma_wait3A_171, %add3A_170] : memref<2x1600000xi32, #tpu.memory_space<hbm>> -> memref<1x128xi32, #tpu.memory_space<hbm>>
      %dma_wait3A_177 = tpu.memref_squeeze %dma_wait3A_176 : memref<1x128xi32, #tpu.memory_space<hbm>> -> memref<128xi32, #tpu.memory_space<hbm>>
      %dma_wait3A_178 = arith.constant 0 : i32
      %dma_wait3A_179 = tpu.memref_slice %arg7[%dma_wait3A_172, %dma_wait3A_178] : memref<4x128xi32, #tpu.memory_space<vmem>> -> memref<1x128xi32, #tpu.memory_space<vmem>>
      %dma_wait3A_180 = tpu.memref_squeeze %dma_wait3A_179 : memref<1x128xi32, #tpu.memory_space<vmem>> -> memref<128xi32, #tpu.memory_space<vmem>>
      %dma_wait3A_181 = tpu.memref_slice %arg3[%dma_wait3A_171, %add3A_170] : memref<2x1600000xi32, #tpu.memory_space<hbm>> -> memref<1x128xi32, #tpu.memory_space<hbm>>
      %dma_wait3A_182 = tpu.memref_squeeze %dma_wait3A_181 : memref<1x128xi32, #tpu.memory_space<hbm>> -> memref<128xi32, #tpu.memory_space<hbm>>
      tpu.wait_dma2 semaphore(%arg12 : memref<!tpu.dma_semaphore, #tpu.memory_space<semaphore_mem>>) src(%dma_wait3A_182 : memref<128xi32, #tpu.memory_space<hbm>>) dst(%dma_wait3A_180 : memref<128xi32, #tpu.memory_space<vmem>>)
      %add3A_183 = arith.constant 384 : i32
      %add3A_184 = arith.addi %mul3A_86, %add3A_183 : i32
      %dma_wait3A_185 = arith.constant 1 : i32
      %dma_wait3A_186 = arith.constant 3 : i32
      %dma_wait3A_187 = arith.constant 0 : i32
      %dma_wait3A_188 = tpu.memref_slice %arg7[%dma_wait3A_186, %dma_wait3A_187] : memref<4x128xi32, #tpu.memory_space<vmem>> -> memref<1x128xi32, #tpu.memory_space<vmem>>
      %dma_wait3A_189 = tpu.memref_squeeze %dma_wait3A_188 : memref<1x128xi32, #tpu.memory_space<vmem>> -> memref<128xi32, #tpu.memory_space<vmem>>
      %dma_wait3A_190 = tpu.memref_slice %arg3[%dma_wait3A_185, %add3A_184] : memref<2x1600000xi32, #tpu.memory_space<hbm>> -> memref<1x128xi32, #tpu.memory_space<hbm>>
      %dma_wait3A_191 = tpu.memref_squeeze %dma_wait3A_190 : memref<1x128xi32, #tpu.memory_space<hbm>> -> memref<128xi32, #tpu.memory_space<hbm>>
      %dma_wait3A_192 = arith.constant 0 : i32
      %dma_wait3A_193 = tpu.memref_slice %arg7[%dma_wait3A_186, %dma_wait3A_192] : memref<4x128xi32, #tpu.memory_space<vmem>> -> memref<1x128xi32, #tpu.memory_space<vmem>>
      %dma_wait3A_194 = tpu.memref_squeeze %dma_wait3A_193 : memref<1x128xi32, #tpu.memory_space<vmem>> -> memref<128xi32, #tpu.memory_space<vmem>>
      %dma_wait3A_195 = tpu.memref_slice %arg3[%dma_wait3A_185, %add3A_184] : memref<2x1600000xi32, #tpu.memory_space<hbm>> -> memref<1x128xi32, #tpu.memory_space<hbm>>
      %dma_wait3A_196 = tpu.memref_squeeze %dma_wait3A_195 : memref<1x128xi32, #tpu.memory_space<hbm>> -> memref<128xi32, #tpu.memory_space<hbm>>
      tpu.wait_dma2 semaphore(%arg12 : memref<!tpu.dma_semaphore, #tpu.memory_space<semaphore_mem>>) src(%dma_wait3A_196 : memref<128xi32, #tpu.memory_space<hbm>>) dst(%dma_wait3A_194 : memref<128xi32, #tpu.memory_space<vmem>>)
      %dma_start3A_197 = arith.constant 0 : i32
      %dma_start3A_198 = arith.constant 0 : i32
      %dma_start3A_199 = arith.constant 0 : i32
      %dma_start3A_200 = tpu.memref_slice %arg8[%dma_start3A_197, %dma_start3A_198, %dma_start3A_199] : memref<4x128x16xf32, #tpu.memory_space<vmem>> -> memref<1x128x16xf32, #tpu.memory_space<vmem>>
      %dma_start3A_201 = tpu.memref_squeeze %dma_start3A_200 : memref<1x128x16xf32, #tpu.memory_space<vmem>> -> memref<128x16xf32, #tpu.memory_space<vmem>>
      %dma_start3A_202 = arith.constant 0 : i32
      %dma_start3A_203 = tpu.memref_slice %arg6[%dma_start3A_202] : memref<512xi32, #tpu.memory_space<vmem>> -> memref<128xi32, #tpu.memory_space<vmem>>
      %dma_start3A_204 = arith.constant 0 : i32
      %dma_start3A_205 = arith.constant 0 : i32
      %dma_start3A_206 = tpu.memref_slice %arg2[%dma_start3A_204, %dma_start3A_205] : memref<100352x16xf32, #tpu.memory_space<hbm>> -> memref<100352x16xf32, #tpu.memory_space<hbm>>
      tpu.enqueue_indirect_dma source(%dma_start3A_206 : memref<100352x16xf32, #tpu.memory_space<hbm>>) target(%dma_start3A_201 : memref<128x16xf32, #tpu.memory_space<vmem>>) offsets(%dma_start3A_203 : memref<128xi32, #tpu.memory_space<vmem>>) semaphore(%arg10 : memref<!tpu.dma_semaphore, #tpu.memory_space<semaphore_mem>>)
      %dma_start3A_207 = arith.constant 1 : i32
      %dma_start3A_208 = arith.constant 0 : i32
      %dma_start3A_209 = arith.constant 0 : i32
      %dma_start3A_210 = tpu.memref_slice %arg8[%dma_start3A_207, %dma_start3A_208, %dma_start3A_209] : memref<4x128x16xf32, #tpu.memory_space<vmem>> -> memref<1x128x16xf32, #tpu.memory_space<vmem>>
      %dma_start3A_211 = tpu.memref_squeeze %dma_start3A_210 : memref<1x128x16xf32, #tpu.memory_space<vmem>> -> memref<128x16xf32, #tpu.memory_space<vmem>>
      %dma_start3A_212 = arith.constant 128 : i32
      %dma_start3A_213 = tpu.memref_slice %arg6[%dma_start3A_212] : memref<512xi32, #tpu.memory_space<vmem>> -> memref<128xi32, #tpu.memory_space<vmem>>
      %dma_start3A_214 = arith.constant 0 : i32
      %dma_start3A_215 = arith.constant 0 : i32
      %dma_start3A_216 = tpu.memref_slice %arg2[%dma_start3A_214, %dma_start3A_215] : memref<100352x16xf32, #tpu.memory_space<hbm>> -> memref<100352x16xf32, #tpu.memory_space<hbm>>
      tpu.enqueue_indirect_dma source(%dma_start3A_216 : memref<100352x16xf32, #tpu.memory_space<hbm>>) target(%dma_start3A_211 : memref<128x16xf32, #tpu.memory_space<vmem>>) offsets(%dma_start3A_213 : memref<128xi32, #tpu.memory_space<vmem>>) semaphore(%arg10 : memref<!tpu.dma_semaphore, #tpu.memory_space<semaphore_mem>>)
      %dma_wait3A_217 = arith.constant 0 : i32
      %dma_wait3A_218 = arith.constant 0 : i32
      %dma_wait3A_219 = arith.constant 0 : i32
      %dma_wait3A_220 = tpu.memref_slice %arg8[%dma_wait3A_217, %dma_wait3A_218, %dma_wait3A_219] : memref<4x128x16xf32, #tpu.memory_space<vmem>> -> memref<1x128x16xf32, #tpu.memory_space<vmem>>
      %dma_wait3A_221 = tpu.memref_squeeze %dma_wait3A_220 : memref<1x128x16xf32, #tpu.memory_space<vmem>> -> memref<128x16xf32, #tpu.memory_space<vmem>>
      %dma_wait3A_222 = arith.constant 0 : i32
      %dma_wait3A_223 = tpu.memref_slice %arg6[%dma_wait3A_222] : memref<512xi32, #tpu.memory_space<vmem>> -> memref<128xi32, #tpu.memory_space<vmem>>
      %dma_wait3A_224 = arith.constant 0 : i32
      %dma_wait3A_225 = arith.constant 0 : i32
      %dma_wait3A_226 = tpu.memref_slice %arg2[%dma_wait3A_224, %dma_wait3A_225] : memref<100352x16xf32, #tpu.memory_space<hbm>> -> memref<100352x16xf32, #tpu.memory_space<hbm>>
      tpu.wait_indirect_dma semaphore(%arg10 : memref<!tpu.dma_semaphore, #tpu.memory_space<semaphore_mem>>) src(%dma_wait3A_226 : memref<100352x16xf32, #tpu.memory_space<hbm>>) dst(%dma_wait3A_221 : memref<128x16xf32, #tpu.memory_space<vmem>>)
      %dma_start3A_227 = arith.constant 0 : i32
      %dma_start3A_228 = arith.constant 0 : i32
      %dma_start3A_229 = arith.constant 0 : i32
      %dma_start3A_230 = arith.constant 0 : i32
      %dma_start3A_231 = tpu.memref_slice %arg8[%dma_start3A_227, %dma_start3A_229, %dma_start3A_230] : memref<4x128x16xf32, #tpu.memory_space<vmem>> -> memref<1x128x16xf32, #tpu.memory_space<vmem>>
      %dma_start3A_232 = tpu.memref_squeeze %dma_start3A_231 : memref<1x128x16xf32, #tpu.memory_space<vmem>> -> memref<128x16xf32, #tpu.memory_space<vmem>>
      %dma_start3A_233 = arith.constant 0 : i32
      %dma_start3A_234 = tpu.memref_slice %arg7[%dma_start3A_228, %dma_start3A_233] : memref<4x128xi32, #tpu.memory_space<vmem>> -> memref<1x128xi32, #tpu.memory_space<vmem>>
      %dma_start3A_235 = tpu.memref_squeeze %dma_start3A_234 : memref<1x128xi32, #tpu.memory_space<vmem>> -> memref<128xi32, #tpu.memory_space<vmem>>
      %dma_start3A_236 = arith.constant 0 : i32
      %dma_start3A_237 = arith.constant 0 : i32
      %dma_start3A_238 = tpu.memref_slice %arg9[%dma_start3A_236, %dma_start3A_237] : memref<100352x16xf32, #tpu.memory_space<vmem_shared>> -> memref<100352x16xf32, #tpu.memory_space<vmem_shared>>
      tpu.enqueue_indirect_dma source(%dma_start3A_232 : memref<128x16xf32, #tpu.memory_space<vmem>>) target(%dma_start3A_238 : memref<100352x16xf32, #tpu.memory_space<vmem_shared>>) offsets(%dma_start3A_235 : memref<128xi32, #tpu.memory_space<vmem>>) semaphore(%arg11 : memref<!tpu.dma_semaphore, #tpu.memory_space<semaphore_mem>>) {add = true}
      %dma_start3A_239 = arith.constant 2 : i32
      %dma_start3A_240 = arith.constant 0 : i32
      %dma_start3A_241 = arith.constant 0 : i32
      %dma_start3A_242 = tpu.memref_slice %arg8[%dma_start3A_239, %dma_start3A_240, %dma_start3A_241] : memref<4x128x16xf32, #tpu.memory_space<vmem>> -> memref<1x128x16xf32, #tpu.memory_space<vmem>>
      %dma_start3A_243 = tpu.memref_squeeze %dma_start3A_242 : memref<1x128x16xf32, #tpu.memory_space<vmem>> -> memref<128x16xf32, #tpu.memory_space<vmem>>
      %dma_start3A_244 = arith.constant 256 : i32
      %dma_start3A_245 = tpu.memref_slice %arg6[%dma_start3A_244] : memref<512xi32, #tpu.memory_space<vmem>> -> memref<128xi32, #tpu.memory_space<vmem>>
      %dma_start3A_246 = arith.constant 0 : i32
      %dma_start3A_247 = arith.constant 0 : i32
      %dma_start3A_248 = tpu.memref_slice %arg2[%dma_start3A_246, %dma_start3A_247] : memref<100352x16xf32, #tpu.memory_space<hbm>> -> memref<100352x16xf32, #tpu.memory_space<hbm>>
      tpu.enqueue_indirect_dma source(%dma_start3A_248 : memref<100352x16xf32, #tpu.memory_space<hbm>>) target(%dma_start3A_243 : memref<128x16xf32, #tpu.memory_space<vmem>>) offsets(%dma_start3A_245 : memref<128xi32, #tpu.memory_space<vmem>>) semaphore(%arg10 : memref<!tpu.dma_semaphore, #tpu.memory_space<semaphore_mem>>)
      %dma_wait3A_249 = arith.constant 1 : i32
      %dma_wait3A_250 = arith.constant 0 : i32
      %dma_wait3A_251 = arith.constant 0 : i32
      %dma_wait3A_252 = tpu.memref_slice %arg8[%dma_wait3A_249, %dma_wait3A_250, %dma_wait3A_251] : memref<4x128x16xf32, #tpu.memory_space<vmem>> -> memref<1x128x16xf32, #tpu.memory_space<vmem>>
      %dma_wait3A_253 = tpu.memref_squeeze %dma_wait3A_252 : memref<1x128x16xf32, #tpu.memory_space<vmem>> -> memref<128x16xf32, #tpu.memory_space<vmem>>
      %dma_wait3A_254 = arith.constant 128 : i32
      %dma_wait3A_255 = tpu.memref_slice %arg6[%dma_wait3A_254] : memref<512xi32, #tpu.memory_space<vmem>> -> memref<128xi32, #tpu.memory_space<vmem>>
      %dma_wait3A_256 = arith.constant 0 : i32
      %dma_wait3A_257 = arith.constant 0 : i32
      %dma_wait3A_258 = tpu.memref_slice %arg2[%dma_wait3A_256, %dma_wait3A_257] : memref<100352x16xf32, #tpu.memory_space<hbm>> -> memref<100352x16xf32, #tpu.memory_space<hbm>>
      tpu.wait_indirect_dma semaphore(%arg10 : memref<!tpu.dma_semaphore, #tpu.memory_space<semaphore_mem>>) src(%dma_wait3A_258 : memref<100352x16xf32, #tpu.memory_space<hbm>>) dst(%dma_wait3A_253 : memref<128x16xf32, #tpu.memory_space<vmem>>)
      %dma_start3A_259 = arith.constant 1 : i32
      %dma_start3A_260 = arith.constant 1 : i32
      %dma_start3A_261 = arith.constant 0 : i32
      %dma_start3A_262 = arith.constant 0 : i32
      %dma_start3A_263 = tpu.memref_slice %arg8[%dma_start3A_259, %dma_start3A_261, %dma_start3A_262] : memref<4x128x16xf32, #tpu.memory_space<vmem>> -> memref<1x128x16xf32, #tpu.memory_space<vmem>>
      %dma_start3A_264 = tpu.memref_squeeze %dma_start3A_263 : memref<1x128x16xf32, #tpu.memory_space<vmem>> -> memref<128x16xf32, #tpu.memory_space<vmem>>
      %dma_start3A_265 = arith.constant 0 : i32
      %dma_start3A_266 = tpu.memref_slice %arg7[%dma_start3A_260, %dma_start3A_265] : memref<4x128xi32, #tpu.memory_space<vmem>> -> memref<1x128xi32, #tpu.memory_space<vmem>>
      %dma_start3A_267 = tpu.memref_squeeze %dma_start3A_266 : memref<1x128xi32, #tpu.memory_space<vmem>> -> memref<128xi32, #tpu.memory_space<vmem>>
      %dma_start3A_268 = arith.constant 0 : i32
      %dma_start3A_269 = arith.constant 0 : i32
      %dma_start3A_270 = tpu.memref_slice %arg9[%dma_start3A_268, %dma_start3A_269] : memref<100352x16xf32, #tpu.memory_space<vmem_shared>> -> memref<100352x16xf32, #tpu.memory_space<vmem_shared>>
      tpu.enqueue_indirect_dma source(%dma_start3A_264 : memref<128x16xf32, #tpu.memory_space<vmem>>) target(%dma_start3A_270 : memref<100352x16xf32, #tpu.memory_space<vmem_shared>>) offsets(%dma_start3A_267 : memref<128xi32, #tpu.memory_space<vmem>>) semaphore(%arg11 : memref<!tpu.dma_semaphore, #tpu.memory_space<semaphore_mem>>) {add = true}
      %dma_start3A_271 = arith.constant 3 : i32
      %dma_start3A_272 = arith.constant 0 : i32
      %dma_start3A_273 = arith.constant 0 : i32
      %dma_start3A_274 = tpu.memref_slice %arg8[%dma_start3A_271, %dma_start3A_272, %dma_start3A_273] : memref<4x128x16xf32, #tpu.memory_space<vmem>> -> memref<1x128x16xf32, #tpu.memory_space<vmem>>
      %dma_start3A_275 = tpu.memref_squeeze %dma_start3A_274 : memref<1x128x16xf32, #tpu.memory_space<vmem>> -> memref<128x16xf32, #tpu.memory_space<vmem>>
      %dma_start3A_276 = arith.constant 384 : i32
      %dma_start3A_277 = tpu.memref_slice %arg6[%dma_start3A_276] : memref<512xi32, #tpu.memory_space<vmem>> -> memref<128xi32, #tpu.memory_space<vmem>>
      %dma_start3A_278 = arith.constant 0 : i32
      %dma_start3A_279 = arith.constant 0 : i32
      %dma_start3A_280 = tpu.memref_slice %arg2[%dma_start3A_278, %dma_start3A_279] : memref<100352x16xf32, #tpu.memory_space<hbm>> -> memref<100352x16xf32, #tpu.memory_space<hbm>>
      tpu.enqueue_indirect_dma source(%dma_start3A_280 : memref<100352x16xf32, #tpu.memory_space<hbm>>) target(%dma_start3A_275 : memref<128x16xf32, #tpu.memory_space<vmem>>) offsets(%dma_start3A_277 : memref<128xi32, #tpu.memory_space<vmem>>) semaphore(%arg10 : memref<!tpu.dma_semaphore, #tpu.memory_space<semaphore_mem>>)
      %dma_wait3A_281 = arith.constant 2 : i32
      %dma_wait3A_282 = arith.constant 0 : i32
      %dma_wait3A_283 = arith.constant 0 : i32
      %dma_wait3A_284 = tpu.memref_slice %arg8[%dma_wait3A_281, %dma_wait3A_282, %dma_wait3A_283] : memref<4x128x16xf32, #tpu.memory_space<vmem>> -> memref<1x128x16xf32, #tpu.memory_space<vmem>>
      %dma_wait3A_285 = tpu.memref_squeeze %dma_wait3A_284 : memref<1x128x16xf32, #tpu.memory_space<vmem>> -> memref<128x16xf32, #tpu.memory_space<vmem>>
      %dma_wait3A_286 = arith.constant 256 : i32
      %dma_wait3A_287 = tpu.memref_slice %arg6[%dma_wait3A_286] : memref<512xi32, #tpu.memory_space<vmem>> -> memref<128xi32, #tpu.memory_space<vmem>>
      %dma_wait3A_288 = arith.constant 0 : i32
      %dma_wait3A_289 = arith.constant 0 : i32
      %dma_wait3A_290 = tpu.memref_slice %arg2[%dma_wait3A_288, %dma_wait3A_289] : memref<100352x16xf32, #tpu.memory_space<hbm>> -> memref<100352x16xf32, #tpu.memory_space<hbm>>
      tpu.wait_indirect_dma semaphore(%arg10 : memref<!tpu.dma_semaphore, #tpu.memory_space<semaphore_mem>>) src(%dma_wait3A_290 : memref<100352x16xf32, #tpu.memory_space<hbm>>) dst(%dma_wait3A_285 : memref<128x16xf32, #tpu.memory_space<vmem>>)
      %dma_start3A_291 = arith.constant 2 : i32
      %dma_start3A_292 = arith.constant 2 : i32
      %dma_start3A_293 = arith.constant 0 : i32
      %dma_start3A_294 = arith.constant 0 : i32
      %dma_start3A_295 = tpu.memref_slice %arg8[%dma_start3A_291, %dma_start3A_293, %dma_start3A_294] : memref<4x128x16xf32, #tpu.memory_space<vmem>> -> memref<1x128x16xf32, #tpu.memory_space<vmem>>
      %dma_start3A_296 = tpu.memref_squeeze %dma_start3A_295 : memref<1x128x16xf32, #tpu.memory_space<vmem>> -> memref<128x16xf32, #tpu.memory_space<vmem>>
      %dma_start3A_297 = arith.constant 0 : i32
      %dma_start3A_298 = tpu.memref_slice %arg7[%dma_start3A_292, %dma_start3A_297] : memref<4x128xi32, #tpu.memory_space<vmem>> -> memref<1x128xi32, #tpu.memory_space<vmem>>
      %dma_start3A_299 = tpu.memref_squeeze %dma_start3A_298 : memref<1x128xi32, #tpu.memory_space<vmem>> -> memref<128xi32, #tpu.memory_space<vmem>>
      %dma_start3A_300 = arith.constant 0 : i32
      %dma_start3A_301 = arith.constant 0 : i32
      %dma_start3A_302 = tpu.memref_slice %arg9[%dma_start3A_300, %dma_start3A_301] : memref<100352x16xf32, #tpu.memory_space<vmem_shared>> -> memref<100352x16xf32, #tpu.memory_space<vmem_shared>>
      tpu.enqueue_indirect_dma source(%dma_start3A_296 : memref<128x16xf32, #tpu.memory_space<vmem>>) target(%dma_start3A_302 : memref<100352x16xf32, #tpu.memory_space<vmem_shared>>) offsets(%dma_start3A_299 : memref<128xi32, #tpu.memory_space<vmem>>) semaphore(%arg11 : memref<!tpu.dma_semaphore, #tpu.memory_space<semaphore_mem>>) {add = true}
      %dma_wait3A_303 = arith.constant 3 : i32
      %dma_wait3A_304 = arith.constant 0 : i32
      %dma_wait3A_305 = arith.constant 0 : i32
      %dma_wait3A_306 = tpu.memref_slice %arg8[%dma_wait3A_303, %dma_wait3A_304, %dma_wait3A_305] : memref<4x128x16xf32, #tpu.memory_space<vmem>> -> memref<1x128x16xf32, #tpu.memory_space<vmem>>
      %dma_wait3A_307 = tpu.memref_squeeze %dma_wait3A_306 : memref<1x128x16xf32, #tpu.memory_space<vmem>> -> memref<128x16xf32, #tpu.memory_space<vmem>>
      %dma_wait3A_308 = arith.constant 384 : i32
      %dma_wait3A_309 = tpu.memref_slice %arg6[%dma_wait3A_308] : memref<512xi32, #tpu.memory_space<vmem>> -> memref<128xi32, #tpu.memory_space<vmem>>
      %dma_wait3A_310 = arith.constant 0 : i32
      %dma_wait3A_311 = arith.constant 0 : i32
      %dma_wait3A_312 = tpu.memref_slice %arg2[%dma_wait3A_310, %dma_wait3A_311] : memref<100352x16xf32, #tpu.memory_space<hbm>> -> memref<100352x16xf32, #tpu.memory_space<hbm>>
      tpu.wait_indirect_dma semaphore(%arg10 : memref<!tpu.dma_semaphore, #tpu.memory_space<semaphore_mem>>) src(%dma_wait3A_312 : memref<100352x16xf32, #tpu.memory_space<hbm>>) dst(%dma_wait3A_307 : memref<128x16xf32, #tpu.memory_space<vmem>>)
      %dma_start3A_313 = arith.constant 3 : i32
      %dma_start3A_314 = arith.constant 3 : i32
      %dma_start3A_315 = arith.constant 0 : i32
      %dma_start3A_316 = arith.constant 0 : i32
      %dma_start3A_317 = tpu.memref_slice %arg8[%dma_start3A_313, %dma_start3A_315, %dma_start3A_316] : memref<4x128x16xf32, #tpu.memory_space<vmem>> -> memref<1x128x16xf32, #tpu.memory_space<vmem>>
      %dma_start3A_318 = tpu.memref_squeeze %dma_start3A_317 : memref<1x128x16xf32, #tpu.memory_space<vmem>> -> memref<128x16xf32, #tpu.memory_space<vmem>>
      %dma_start3A_319 = arith.constant 0 : i32
      %dma_start3A_320 = tpu.memref_slice %arg7[%dma_start3A_314, %dma_start3A_319] : memref<4x128xi32, #tpu.memory_space<vmem>> -> memref<1x128xi32, #tpu.memory_space<vmem>>
      %dma_start3A_321 = tpu.memref_squeeze %dma_start3A_320 : memref<1x128xi32, #tpu.memory_space<vmem>> -> memref<128xi32, #tpu.memory_space<vmem>>
      %dma_start3A_322 = arith.constant 0 : i32
      %dma_start3A_323 = arith.constant 0 : i32
      %dma_start3A_324 = tpu.memref_slice %arg9[%dma_start3A_322, %dma_start3A_323] : memref<100352x16xf32, #tpu.memory_space<vmem_shared>> -> memref<100352x16xf32, #tpu.memory_space<vmem_shared>>
      tpu.enqueue_indirect_dma source(%dma_start3A_318 : memref<128x16xf32, #tpu.memory_space<vmem>>) target(%dma_start3A_324 : memref<100352x16xf32, #tpu.memory_space<vmem_shared>>) offsets(%dma_start3A_321 : memref<128xi32, #tpu.memory_space<vmem>>) semaphore(%arg11 : memref<!tpu.dma_semaphore, #tpu.memory_space<semaphore_mem>>) {add = true}
      %dma_wait3A_325 = arith.constant 0 : i32
      %dma_wait3A_326 = arith.constant 0 : i32
      %dma_wait3A_327 = arith.constant 0 : i32
      %dma_wait3A_328 = arith.constant 0 : i32
      %dma_wait3A_329 = tpu.memref_slice %arg8[%dma_wait3A_325, %dma_wait3A_327, %dma_wait3A_328] : memref<4x128x16xf32, #tpu.memory_space<vmem>> -> memref<1x128x16xf32, #tpu.memory_space<vmem>>
      %dma_wait3A_330 = tpu.memref_squeeze %dma_wait3A_329 : memref<1x128x16xf32, #tpu.memory_space<vmem>> -> memref<128x16xf32, #tpu.memory_space<vmem>>
      %dma_wait3A_331 = arith.constant 0 : i32
      %dma_wait3A_332 = tpu.memref_slice %arg7[%dma_wait3A_326, %dma_wait3A_331] : memref<4x128xi32, #tpu.memory_space<vmem>> -> memref<1x128xi32, #tpu.memory_space<vmem>>
      %dma_wait3A_333 = tpu.memref_squeeze %dma_wait3A_332 : memref<1x128xi32, #tpu.memory_space<vmem>> -> memref<128xi32, #tpu.memory_space<vmem>>
      %dma_wait3A_334 = arith.constant 0 : i32
      %dma_wait3A_335 = arith.constant 0 : i32
      %dma_wait3A_336 = tpu.memref_slice %arg9[%dma_wait3A_334, %dma_wait3A_335] : memref<100352x16xf32, #tpu.memory_space<vmem_shared>> -> memref<100352x16xf32, #tpu.memory_space<vmem_shared>>
      tpu.wait_indirect_dma semaphore(%arg11 : memref<!tpu.dma_semaphore, #tpu.memory_space<semaphore_mem>>) src(%dma_wait3A_330 : memref<128x16xf32, #tpu.memory_space<vmem>>) dst(%dma_wait3A_336 : memref<100352x16xf32, #tpu.memory_space<vmem_shared>>)
      %dma_wait3A_337 = arith.constant 1 : i32
      %dma_wait3A_338 = arith.constant 1 : i32
      %dma_wait3A_339 = arith.constant 0 : i32
      %dma_wait3A_340 = arith.constant 0 : i32
      %dma_wait3A_341 = tpu.memref_slice %arg8[%dma_wait3A_337, %dma_wait3A_339, %dma_wait3A_340] : memref<4x128x16xf32, #tpu.memory_space<vmem>> -> memref<1x128x16xf32, #tpu.memory_space<vmem>>
      %dma_wait3A_342 = tpu.memref_squeeze %dma_wait3A_341 : memref<1x128x16xf32, #tpu.memory_space<vmem>> -> memref<128x16xf32, #tpu.memory_space<vmem>>
      %dma_wait3A_343 = arith.constant 0 : i32
      %dma_wait3A_344 = tpu.memref_slice %arg7[%dma_wait3A_338, %dma_wait3A_343] : memref<4x128xi32, #tpu.memory_space<vmem>> -> memref<1x128xi32, #tpu.memory_space<vmem>>
      %dma_wait3A_345 = tpu.memref_squeeze %dma_wait3A_344 : memref<1x128xi32, #tpu.memory_space<vmem>> -> memref<128xi32, #tpu.memory_space<vmem>>
      %dma_wait3A_346 = arith.constant 0 : i32
      %dma_wait3A_347 = arith.constant 0 : i32
      %dma_wait3A_348 = tpu.memref_slice %arg9[%dma_wait3A_346, %dma_wait3A_347] : memref<100352x16xf32, #tpu.memory_space<vmem_shared>> -> memref<100352x16xf32, #tpu.memory_space<vmem_shared>>
      tpu.wait_indirect_dma semaphore(%arg11 : memref<!tpu.dma_semaphore, #tpu.memory_space<semaphore_mem>>) src(%dma_wait3A_342 : memref<128x16xf32, #tpu.memory_space<vmem>>) dst(%dma_wait3A_348 : memref<100352x16xf32, #tpu.memory_space<vmem_shared>>)
      %dma_wait3A_349 = arith.constant 2 : i32
      %dma_wait3A_350 = arith.constant 2 : i32
      %dma_wait3A_351 = arith.constant 0 : i32
      %dma_wait3A_352 = arith.constant 0 : i32
      %dma_wait3A_353 = tpu.memref_slice %arg8[%dma_wait3A_349, %dma_wait3A_351, %dma_wait3A_352] : memref<4x128x16xf32, #tpu.memory_space<vmem>> -> memref<1x128x16xf32, #tpu.memory_space<vmem>>
      %dma_wait3A_354 = tpu.memref_squeeze %dma_wait3A_353 : memref<1x128x16xf32, #tpu.memory_space<vmem>> -> memref<128x16xf32, #tpu.memory_space<vmem>>
      %dma_wait3A_355 = arith.constant 0 : i32
      %dma_wait3A_356 = tpu.memref_slice %arg7[%dma_wait3A_350, %dma_wait3A_355] : memref<4x128xi32, #tpu.memory_space<vmem>> -> memref<1x128xi32, #tpu.memory_space<vmem>>
      %dma_wait3A_357 = tpu.memref_squeeze %dma_wait3A_356 : memref<1x128xi32, #tpu.memory_space<vmem>> -> memref<128xi32, #tpu.memory_space<vmem>>
      %dma_wait3A_358 = arith.constant 0 : i32
      %dma_wait3A_359 = arith.constant 0 : i32
      %dma_wait3A_360 = tpu.memref_slice %arg9[%dma_wait3A_358, %dma_wait3A_359] : memref<100352x16xf32, #tpu.memory_space<vmem_shared>> -> memref<100352x16xf32, #tpu.memory_space<vmem_shared>>
      tpu.wait_indirect_dma semaphore(%arg11 : memref<!tpu.dma_semaphore, #tpu.memory_space<semaphore_mem>>) src(%dma_wait3A_354 : memref<128x16xf32, #tpu.memory_space<vmem>>) dst(%dma_wait3A_360 : memref<100352x16xf32, #tpu.memory_space<vmem_shared>>)
      %dma_wait3A_361 = arith.constant 3 : i32
      %dma_wait3A_362 = arith.constant 3 : i32
      %dma_wait3A_363 = arith.constant 0 : i32
      %dma_wait3A_364 = arith.constant 0 : i32
      %dma_wait3A_365 = tpu.memref_slice %arg8[%dma_wait3A_361, %dma_wait3A_363, %dma_wait3A_364] : memref<4x128x16xf32, #tpu.memory_space<vmem>> -> memref<1x128x16xf32, #tpu.memory_space<vmem>>
      %dma_wait3A_366 = tpu.memref_squeeze %dma_wait3A_365 : memref<1x128x16xf32, #tpu.memory_space<vmem>> -> memref<128x16xf32, #tpu.memory_space<vmem>>
      %dma_wait3A_367 = arith.constant 0 : i32
      %dma_wait3A_368 = tpu.memref_slice %arg7[%dma_wait3A_362, %dma_wait3A_367] : memref<4x128xi32, #tpu.memory_space<vmem>> -> memref<1x128xi32, #tpu.memory_space<vmem>>
      %dma_wait3A_369 = tpu.memref_squeeze %dma_wait3A_368 : memref<1x128xi32, #tpu.memory_space<vmem>> -> memref<128xi32, #tpu.memory_space<vmem>>
      %dma_wait3A_370 = arith.constant 0 : i32
      %dma_wait3A_371 = arith.constant 0 : i32
      %dma_wait3A_372 = tpu.memref_slice %arg9[%dma_wait3A_370, %dma_wait3A_371] : memref<100352x16xf32, #tpu.memory_space<vmem_shared>> -> memref<100352x16xf32, #tpu.memory_space<vmem_shared>>
      tpu.wait_indirect_dma semaphore(%arg11 : memref<!tpu.dma_semaphore, #tpu.memory_space<semaphore_mem>>) src(%dma_wait3A_366 : memref<128x16xf32, #tpu.memory_space<vmem>>) dst(%dma_wait3A_372 : memref<100352x16xf32, #tpu.memory_space<vmem_shared>>)
    }
    %barrier3A_76 = arith.constant 0 : index
    tpu.barrier barrier_id(%barrier3A_76)
    %mul3A_77 = arith.constant 6272 : i32
    %mul3A_78 = arith.muli %arg1, %mul3A_77 : i32
    %mul3A_79 = arith.constant 6272 : i32
    %mul3A_80 = arith.muli %arg1, %mul3A_79 : i32
    "tpu.region"() ({
      %run_scoped3A = tpu.sem_alloc : memref<!tpu.dma_semaphore, #tpu.memory_space<semaphore_mem>>
      %dma_start3A = arith.constant 0 : i32
      %dma_start3A_81 = tpu.memref_slice %arg5[%arg0, %mul3A_80, %dma_start3A] : memref<2x100352x16xf32, #tpu.memory_space<hbm>> -> memref<1x6272x16xf32, #tpu.memory_space<hbm>>
      %dma_start3A_82 = tpu.memref_squeeze %dma_start3A_81 : memref<1x6272x16xf32, #tpu.memory_space<hbm>> -> memref<6272x16xf32, #tpu.memory_space<hbm>>
      %dma_start3A_83 = arith.constant 0 : i32
      %dma_start3A_84 = tpu.memref_slice %arg9[%mul3A_78, %dma_start3A_83] : memref<100352x16xf32, #tpu.memory_space<vmem_shared>> -> memref<6272x16xf32, #tpu.memory_space<vmem_shared>>
      tpu.enqueue_dma source(%dma_start3A_84 : memref<6272x16xf32, #tpu.memory_space<vmem_shared>>) target(%dma_start3A_82 : memref<6272x16xf32, #tpu.memory_space<hbm>>) target_semaphore(%run_scoped3A : memref<!tpu.dma_semaphore, #tpu.memory_space<semaphore_mem>>)
      %dma_wait3A = arith.constant 0 : i32
      %dma_wait3A_85 = tpu.memref_slice %arg5[%arg0, %mul3A_80, %dma_wait3A] : memref<2x100352x16xf32, #tpu.memory_space<hbm>> -> memref<1x6272x16xf32, #tpu.memory_space<hbm>>
      %dma_wait3A_86 = tpu.memref_squeeze %dma_wait3A_85 : memref<1x6272x16xf32, #tpu.memory_space<hbm>> -> memref<6272x16xf32, #tpu.memory_space<hbm>>
      %dma_wait3A_87 = arith.constant 0 : i32
      %dma_wait3A_88 = tpu.memref_slice %arg9[%mul3A_78, %dma_wait3A_87] : memref<100352x16xf32, #tpu.memory_space<vmem_shared>> -> memref<6272x16xf32, #tpu.memory_space<vmem_shared>>
      tpu.wait_dma2 semaphore(%run_scoped3A : memref<!tpu.dma_semaphore, #tpu.memory_space<semaphore_mem>>) src(%dma_wait3A_88 : memref<6272x16xf32, #tpu.memory_space<vmem_shared>>) dst(%dma_wait3A_86 : memref<6272x16xf32, #tpu.memory_space<hbm>>)
      tpu.yield
    }) : () -> ()
    return
  }
}

module attributes {stable_mosaic.version = 14 : i64} {
  func.func @_prep_body(%arg0: i32, %arg1: memref<16x2048xf32, #tpu.memory_space<vmem>>, %arg2: memref<1x2048xf32, #tpu.memory_space<vmem>>, %arg3: memref<1x2048xf32, #tpu.memory_space<vmem>>, %arg4: memref<1x2048xf32, #tpu.memory_space<vmem>>, %arg5: memref<16x2048xf32, #tpu.memory_space<vmem>>) attributes {dimension_semantics = [#tpu.dimension_semantics<arbitrary>], iteration_bounds = array<i64: 49>, scalar_prefetch = 0 : i64, scratch_operands = 0 : i64, tpu.core_type = #tpu.core_type<tc>, window_params = [{transform_indices = @transform_0, window_bounds = array<i64: 16, 2048>}, {transform_indices = @transform_1, window_bounds = array<i64: 1, 2048>}, {transform_indices = @transform_2, window_bounds = array<i64: 1, 2048>}, {transform_indices = @transform_3, window_bounds = array<i64: 1, 2048>}, {transform_indices = @transform_4, window_bounds = array<i64: 16, 2048>}]} {
    %get3A = arith.constant 0 : index
    %get3A_0 = arith.constant 0 : index
    %get3A_1 = vector.load %arg1[%get3A, %get3A_0] : memref<16x2048xf32, #tpu.memory_space<vmem>>, vector<16x2048xf32>
    %get3A_2 = arith.constant 0 : index
    %get3A_3 = arith.constant 0 : index
    %get3A_4 = vector.load %arg2[%get3A_2, %get3A_3] : memref<1x2048xf32, #tpu.memory_space<vmem>>, vector<1x2048xf32>
    %custom_jvp_call3A = arith.constant 0.000000e+00 : f32
    %max3A = vector.broadcast %custom_jvp_call3A : f32 to vector<1x2048xf32>
    %max3A_5 = arith.maximumf %get3A_4, %max3A : vector<1x2048xf32>
    %sub3A = vector.broadcast %custom_jvp_call3A : f32 to vector<1x2048xf32>
    %sub3A_6 = arith.subf %get3A_4, %sub3A : vector<1x2048xf32>
    %ne3A = arith.cmpf one, %sub3A_6, %sub3A_6 : vector<1x2048xf32>
    %add3A = vector.broadcast %custom_jvp_call3A : f32 to vector<1x2048xf32>
    %add3A_7 = arith.addf %get3A_4, %add3A : vector<1x2048xf32>
    %abs3A = math.absf %sub3A_6 : vector<1x2048xf32>
    %neg3A = arith.constant 0.000000e+00 : f32
    %neg3A_8 = vector.broadcast %neg3A : f32 to vector<1x2048xf32>
    %neg3A_9 = arith.subf %neg3A_8, %abs3A : vector<1x2048xf32>
    %exp3A = math.exp %neg3A_9 : vector<1x2048xf32>
    %log1p3A = math.log1p %exp3A : vector<1x2048xf32>
    %add3A_10 = arith.addf %max3A_5, %log1p3A : vector<1x2048xf32>
    %select_n3A = arith.select %ne3A, %add3A_7, %add3A_10 : vector<1x2048xi1>, vector<1x2048xf32>
    %mul3A = vector.broadcast %select_n3A : vector<1x2048xf32> to vector<16x2048xf32>
    %mul3A_11 = arith.mulf %mul3A, %get3A_1 : vector<16x2048xf32>
    %iota3A = tpu.iota {dimensions = array<i32: 0>} : vector<16x2048xi32>
    %eq3A = arith.constant 10 : i32
    %eq3A_12 = vector.broadcast %eq3A : i32 to vector<16x2048xi32>
    %eq3A_13 = arith.cmpi eq, %iota3A, %eq3A_12 : vector<16x2048xi32>
    %jit3A = arith.constant 1.000000e+00 : f32
    %broadcast_in_dim3A = vector.broadcast %jit3A : f32 to vector<16x2048xf32>
    %select_n3A_14 = arith.select %eq3A_13, %broadcast_in_dim3A, %mul3A_11 : vector<16x2048xi1>, vector<16x2048xf32>
    %eq3A_15 = arith.constant 11 : i32
    %eq3A_16 = vector.broadcast %eq3A_15 : i32 to vector<16x2048xi32>
    %eq3A_17 = arith.cmpi eq, %iota3A, %eq3A_16 : vector<16x2048xi32>
    %get3A_18 = arith.constant 0 : index
    %get3A_19 = arith.constant 0 : index
    %get3A_20 = vector.load %arg3[%get3A_18, %get3A_19] : memref<1x2048xf32, #tpu.memory_space<vmem>>, vector<1x2048xf32>
    %custom_jvp_call3A_21 = arith.constant 0.000000e+00 : f32
    %max3A_22 = vector.broadcast %custom_jvp_call3A_21 : f32 to vector<1x2048xf32>
    %max3A_23 = arith.maximumf %get3A_20, %max3A_22 : vector<1x2048xf32>
    %sub3A_24 = vector.broadcast %custom_jvp_call3A_21 : f32 to vector<1x2048xf32>
    %sub3A_25 = arith.subf %get3A_20, %sub3A_24 : vector<1x2048xf32>
    %ne3A_26 = arith.cmpf one, %sub3A_25, %sub3A_25 : vector<1x2048xf32>
    %add3A_27 = vector.broadcast %custom_jvp_call3A_21 : f32 to vector<1x2048xf32>
    %add3A_28 = arith.addf %get3A_20, %add3A_27 : vector<1x2048xf32>
    %abs3A_29 = math.absf %sub3A_25 : vector<1x2048xf32>
    %neg3A_30 = arith.constant 0.000000e+00 : f32
    %neg3A_31 = vector.broadcast %neg3A_30 : f32 to vector<1x2048xf32>
    %neg3A_32 = arith.subf %neg3A_31, %abs3A_29 : vector<1x2048xf32>
    %exp3A_33 = math.exp %neg3A_32 : vector<1x2048xf32>
    %log1p3A_34 = math.log1p %exp3A_33 : vector<1x2048xf32>
    %add3A_35 = arith.addf %max3A_23, %log1p3A_34 : vector<1x2048xf32>
    %select_n3A_36 = arith.select %ne3A_26, %add3A_28, %add3A_35 : vector<1x2048xi1>, vector<1x2048xf32>
    %broadcast_in_dim3A_37 = vector.shape_cast %select_n3A_36 : vector<1x2048xf32> to vector<1x2048xf32>
    %broadcast_in_dim3A_38 = vector.broadcast %broadcast_in_dim3A_37 : vector<1x2048xf32> to vector<16x2048xf32>
    %select_n3A_39 = arith.select %eq3A_17, %broadcast_in_dim3A_38, %select_n3A_14 : vector<16x2048xi1>, vector<16x2048xf32>
    %eq3A_40 = arith.constant 12 : i32
    %eq3A_41 = vector.broadcast %eq3A_40 : i32 to vector<16x2048xi32>
    %eq3A_42 = arith.cmpi eq, %iota3A, %eq3A_41 : vector<16x2048xi32>
    %get3A_43 = arith.constant 0 : index
    %get3A_44 = arith.constant 0 : index
    %get3A_45 = vector.load %arg4[%get3A_43, %get3A_44] : memref<1x2048xf32, #tpu.memory_space<vmem>>, vector<1x2048xf32>
    %broadcast_in_dim3A_46 = vector.shape_cast %get3A_45 : vector<1x2048xf32> to vector<1x2048xf32>
    %broadcast_in_dim3A_47 = vector.broadcast %broadcast_in_dim3A_46 : vector<1x2048xf32> to vector<16x2048xf32>
    %select_n3A_48 = arith.select %eq3A_42, %broadcast_in_dim3A_47, %select_n3A_39 : vector<16x2048xi1>, vector<16x2048xf32>
    %swap3A = arith.constant 0 : index
    %swap3A_49 = arith.constant 0 : index
    %swap3A_50 = vector.load %arg5[%swap3A, %swap3A_49] : memref<16x2048xf32, #tpu.memory_space<vmem>>, vector<16x2048xf32>
    tpu.vector_store %arg5[%swap3A, %swap3A_49], %select_n3A_48 {strides = array<i32>} : memref<16x2048xf32, #tpu.memory_space<vmem>>, vector<16x2048xf32>,
    return
  }
  func.func @transform_0(%arg0: i32) -> (i32, i32) {
    %c0_i32 = arith.constant 0 : i32
    %c0_i32_0 = arith.constant 0 : i32
    return %c0_i32, %arg0 : i32, i32
  }
  func.func @transform_1(%arg0: i32) -> (i32, i32) {
    %c0_i32 = arith.constant 0 : i32
    %c0_i32_0 = arith.constant 0 : i32
    return %c0_i32, %arg0 : i32, i32
  }
  func.func @transform_2(%arg0: i32) -> (i32, i32) {
    %c0_i32 = arith.constant 0 : i32
    %c0_i32_0 = arith.constant 0 : i32
    return %c0_i32, %arg0 : i32, i32
  }
  func.func @transform_3(%arg0: i32) -> (i32, i32) {
    %c0_i32 = arith.constant 0 : i32
    %c0_i32_0 = arith.constant 0 : i32
    return %c0_i32, %arg0 : i32, i32
  }
  func.func @transform_4(%arg0: i32) -> (i32, i32) {
    %c0_i32 = arith.constant 0 : i32
    %c0_i32_0 = arith.constant 0 : i32
    return %c0_i32, %arg0 : i32, i32
  }
}

module attributes {stable_mosaic.version = 14 : i64} {
  func.func @_final_body(%arg0: i32, %arg1: memref<1x3xf32, #tpu.memory_space<smem>>, %arg2: memref<16x2048xf32, #tpu.memory_space<vmem>>, %arg3: memref<2x2048x16xf32, #tpu.memory_space<vmem>>, %arg4: memref<16x2048xf32, #tpu.memory_space<vmem>>) attributes {dimension_semantics = [#tpu.dimension_semantics<arbitrary>], iteration_bounds = array<i64: 49>, scalar_prefetch = 0 : i64, scratch_operands = 0 : i64, tpu.core_type = #tpu.core_type<tc>, window_params = [{transform_indices = @transform_0, window_bounds = array<i64: 1, 3>}, {transform_indices = @transform_1, window_bounds = array<i64: 16, 2048>}, {transform_indices = @transform_2, window_bounds = array<i64: 2, 2048, 16>}, {transform_indices = @transform_3, window_bounds = array<i64: 16, 2048>}]} {
    %get3A = arith.constant 0 : index
    %get3A_0 = arith.constant 0 : index
    %get3A_1 = memref.load %arg1[%get3A, %get3A_0] : memref<1x3xf32, #tpu.memory_space<smem>>
    %get3A_2 = arith.constant 0 : index
    %get3A_3 = arith.constant 1 : index
    %get3A_4 = memref.load %arg1[%get3A_2, %get3A_3] : memref<1x3xf32, #tpu.memory_space<smem>>
    %get3A_5 = arith.constant 0 : index
    %get3A_6 = arith.constant 2 : index
    %get3A_7 = memref.load %arg1[%get3A_5, %get3A_6] : memref<1x3xf32, #tpu.memory_space<smem>>
    %get3A_8 = arith.constant 0 : index
    %get3A_9 = arith.constant 0 : index
    %get3A_10 = vector.load %arg2[%get3A_8, %get3A_9] : memref<16x2048xf32, #tpu.memory_space<vmem>>, vector<16x2048xf32>
    %get3A_11 = arith.constant 0 : index
    %get3A_12 = arith.constant 0 : index
    %get3A_13 = arith.constant 0 : index
    %get3A_14 = vector.load %arg3[%get3A_11, %get3A_12, %get3A_13] : memref<2x2048x16xf32, #tpu.memory_space<vmem>>, vector<2x2048x16xf32>
    %slice3A = vector.extract_strided_slice %get3A_14 {offsets = [0, 0, 0], sizes = [1, 2048, 16], strides = [1, 1, 1]} : vector<2x2048x16xf32> to vector<1x2048x16xf32>
    %squeeze3A = vector.shape_cast %slice3A : vector<1x2048x16xf32> to vector<2048x16xf32>
    %slice3A_15 = vector.extract_strided_slice %get3A_14 {offsets = [1, 0, 0], sizes = [1, 2048, 16], strides = [1, 1, 1]} : vector<2x2048x16xf32> to vector<1x2048x16xf32>
    %squeeze3A_16 = vector.shape_cast %slice3A_15 : vector<1x2048x16xf32> to vector<2048x16xf32>
    %add3A = arith.addf %squeeze3A, %squeeze3A_16 : vector<2048x16xf32>
    %transpose3A = tpu.transpose %add3A, [1, 0] : vector<2048x16xf32> -> vector<16x2048xf32>
    %slice3A_17 = vector.extract_strided_slice %transpose3A {offsets = [10, 0], sizes = [1, 2048], strides = [1, 1]} : vector<16x2048xf32> to vector<1x2048xf32>
    %max3A = arith.constant 1.000000e+00 : f32
    %max3A_18 = vector.broadcast %max3A : f32 to vector<1x2048xf32>
    %max3A_19 = arith.maximumf %slice3A_17, %max3A_18 : vector<1x2048xf32>
    %log3A = math.log %max3A_19 : vector<1x2048xf32>
    %mul3A = vector.broadcast %get3A_7 : f32 to vector<1x2048xf32>
    %mul3A_20 = arith.mulf %mul3A, %log3A : vector<1x2048xf32>
    %exp3A = math.exp %mul3A_20 : vector<1x2048xf32>
    %slice3A_21 = vector.extract_strided_slice %get3A_10 {offsets = [11, 0], sizes = [1, 2048], strides = [1, 1]} : vector<16x2048xf32> to vector<1x2048xf32>
    %mul3A_22 = vector.broadcast %get3A_1 : f32 to vector<1x2048xf32>
    %mul3A_23 = arith.mulf %mul3A_22, %exp3A : vector<1x2048xf32>
    %mul3A_24 = vector.broadcast %mul3A_23 : vector<1x2048xf32> to vector<16x2048xf32>
    %mul3A_25 = arith.mulf %mul3A_24, %get3A_10 : vector<16x2048xf32>
    %mul3A_26 = vector.broadcast %get3A_4 : f32 to vector<16x2048xf32>
    %mul3A_27 = arith.mulf %mul3A_26, %transpose3A : vector<16x2048xf32>
    %add3A_28 = arith.addf %mul3A_25, %mul3A_27 : vector<16x2048xf32>
    %mul3A_29 = vector.broadcast %slice3A_21 : vector<1x2048xf32> to vector<16x2048xf32>
    %mul3A_30 = arith.mulf %mul3A_29, %add3A_28 : vector<16x2048xf32>
    %slice3A_31 = vector.extract_strided_slice %get3A_10 {offsets = [12, 0], sizes = [1, 2048], strides = [1, 1]} : vector<16x2048xf32> to vector<1x2048xf32>
    %add3A_32 = vector.broadcast %slice3A_31 : vector<1x2048xf32> to vector<16x2048xf32>
    %add3A_33 = arith.addf %mul3A_30, %add3A_32 : vector<16x2048xf32>
    %swap3A = arith.constant 0 : index
    %swap3A_34 = arith.constant 0 : index
    %swap3A_35 = vector.load %arg4[%swap3A, %swap3A_34] : memref<16x2048xf32, #tpu.memory_space<vmem>>, vector<16x2048xf32>
    tpu.vector_store %arg4[%swap3A, %swap3A_34], %add3A_33 {strides = array<i32>} : memref<16x2048xf32, #tpu.memory_space<vmem>>, vector<16x2048xf32>,
    return
  }
  func.func @transform_0(%arg0: i32) -> (i32, i32) {
    %c0_i32 = arith.constant 0 : i32
    %c0_i32_0 = arith.constant 0 : i32
    %c0_i32_1 = arith.constant 0 : i32
    return %c0_i32, %c0_i32_0 : i32, i32
  }
  func.func @transform_1(%arg0: i32) -> (i32, i32) {
    %c0_i32 = arith.constant 0 : i32
    %c0_i32_0 = arith.constant 0 : i32
    return %c0_i32, %arg0 : i32, i32
  }
  func.func @transform_2(%arg0: i32) -> (i32, i32, i32) {
    %c0_i32 = arith.constant 0 : i32
    %c0_i32_0 = arith.constant 0 : i32
    %c0_i32_1 = arith.constant 0 : i32
    return %c0_i32, %arg0, %c0_i32_0 : i32, i32, i32
  }
  func.func @transform_3(%arg0: i32) -> (i32, i32) {
    %c0_i32 = arith.constant 0 : i32
    %c0_i32_0 = arith.constant 0 : i32
    return %c0_i32, %arg0 : i32, i32
  }
}

</mosaic_0001>

<sc_bundles>
// kernel: kernel.5.cloned.1.call-start
scs
__scs_entry_jumppad:
0x0: {  	(pc) =	sbr.rel $0x88, $3  }
0x1: {  	(tag) =	ssettag $0x0;
	lr =	simm.s32 $0x1  }
0x2: {  	[smem:$0x3F99] =	sst lr;
	_ =	strace $0xD0000000  }
0x3: {  	_ = 	snop  }
0x4: {  	_ = 	snop  }
0x5: {  	_ = 	snop  }
0x6: {  	_ = 	snop  }
0x7: {  	_ = 	snop  }
__scs_overlays_trampoline_lowered:
0x8: {  	[smem:$0x3FA8] =	sst s0  }
0x9: {  	[smem:$0x3FA9] =	sst s1  }
0xa: {  	[smem:$0x3FAA] =	sst s2  }
0xb: {  	[smem:$0x3FAB] =	sst s3  }
0xc: {  	[smem:$0x3FAC] =	sst s4  }
0xd: {  	[smem:$0x3FAD] =	sst s5  }
0xe: {  	[smem:$0x3FAE] =	sst s6  }
0xf: {  	[smem:$0x3FAF] =	sst s7  }
0x10: {  	[smem:$0x3FB0] =	sst s8  }
0x11: {  	[smem:$0x3FB1] =	sst s9;
	s0 =	simm.s32 @!p0 $0x0  }
0x12: {  	s1 =	sld [smem:$0x3F97];
	s0 =	simm.s32 @p0 $0x1  }
0x13: {  	[smem:$0x3FB2] =	sst s0;
	s0 =	simm.s32 @!p1 $0x0  }
0x14: {  	s2 =	sld [smem:$0x3F96];
	s0 =	simm.s32 @p1 $0x1  }
0x15: {  	[smem:$0x3FB3] =	sst s0;
	s0 =	simm.s32 @!p2 $0x0  }
0x16: {  	s3 =	sld [smem:$0x3FDB];
	s0 =	simm.s32 @p2 $0x1  }
0x17: {  	s4 =	simm.s32 $0x1BF5;
	[smem:$0x3FB5] =	sst s0  }
0x18: {  	s0 =	sld [smem:$0x3F98];
	_ =	swait.ge [sflag:s4], $0x0  }
0x19: {  	s7 =	sld [smem:$0x3F99]  }
0x1a: {  	s8 =	sadd.s32 $0xFFFFE003, lr  }
0x1b: {  	s9 =	sadd.s32 $0xFFFFFEF7, lr;
	s5 =	simm.s32 $0xFFFFFFFF;
	p2 =	slt.u32 s8, $0xFFFFF086  }
0x1c: {  	p1 =	slt.u32 s9, $0xF7A;
	s5 =	simm.s32 @!p2 $0x0  }
0x1d: {  	s5 =	simm.s32 @p1 $0x1;
	p0 =	seq.s32 s7, s2  }
0x1e: {  	s7 =	smul.u32 @!p0 $0xF7A, s2;
	p2 =	seq.s32 @!p0 s5, $0x0  }
0x1f: {  	s9 =	smul.u32 $0xF7A, s1;
	s8 =	simm.s32 @!p0 $0x1BF5;
	p2 =	por !p2, p0  }
0x20: {  	[sflag:s8] =	ssyncset.s32 @!p0 $0xFFFFF086;
	s6 =	sadd.s32 @!p0 s3, s7;
	s7 =	simm.s32 @!p0 $0x108  }
0x21: {  	s3 =	sadd.s32 s3, s9;
	s6 =	sadd.s32 @!p0 $0x88, s6;
	s7 =	simm.s32 @p2 $0x1082  }
0x22: {  	[simem:s7], [sflag:s8] =	dma.local @!p0 [hbm:s6], $0xF7A  }
0x23: {  	s9 =	sor.u32 $0xD0000000, s2;
	s6 =	simm.s32 $0x108;
	_ =	swait.ge @!p0 [sflag:s8], $0x0  }
0x24: {  	s3 =	sadd.s32 $0x88, s3;
	s6 =	simm.s32 @!p1 $0x1082;
	[sflag:s4] =	ssyncset.s32 $0xFFFFF086  }
0x25: {  	[simem:s6], [sflag:s4] =	dma.local [hbm:s3], $0xF7A  }
0x26: {  	[smem:$0x3F99] =	sst s1;
	(tag) =	ssettag s2;
	_ =	strace s9  }
0x27: {  	s1 =	sld [smem:$0x3FA9]  }
0x28: {  	s2 =	sld [smem:$0x3FAA]  }
0x29: {  	s4 =	sld [smem:$0x3FAC]  }
0x2a: {  	p0 =	seq.s32 s5, $0x0;
	s5 =	sld [smem:$0x3FAD]  }
0x2b: {  	s6 =	sld [smem:$0x3FAE]  }
0x2c: {  	s7 =	sld [smem:$0x3FAF]  }
0x2d: {  	s3 =	simm.s32 $0x108;
	s8 =	sld [smem:$0x3FB0]  }
0x2e: {  	s3 =	simm.s32 @!p0 $0x1082;
	s9 =	sld [smem:$0x3FB1]  }
0x2f: {  	lr =	sadd.s32 s0, s3;
	s0 =	sld [smem:$0x3FA8]  }
0x30: {  	s3 =	sld [smem:$0x3FAB]  }
0x31: {  	[smem:$0x3FB4] =	sst s10  }
0x32: {  	s10 =	sld [smem:$0x3FB2];
	_ =	sdelay $0x3  }
0x33: {  	p0 =	seq.s32 s10, $0x1;
	s10 =	sld [smem:$0x3FB4];
	_ =	sdelay $0x3  }
0x34: {  	[smem:$0x3FB4] =	sst s10  }
0x35: {  	s10 =	sld [smem:$0x3FB3];
	_ =	sdelay $0x3  }
0x36: {  	p1 =	seq.s32 s10, $0x1;
	s10 =	sld [smem:$0x3FB4];
	_ =	sdelay $0x3  }
0x37: {  	[smem:$0x3FB4] =	sst s10  }
0x38: {  	s10 =	sld [smem:$0x3FB5]  }
0x39: {  	_ = 	snop;
	(pc) =	sbr.ind lr, $3  }
0x3a: {  	_ = 	snop  }
0x3b: {  	_ = 	snop  }
0x3c: {  	p2 =	seq.s32 s10, $0x1;
	s10 =	sld [smem:$0x3FB4]  }
0x3d: {  	_ =	shalt  }
0x3e: {  	_ =	shalt  }
0x3f: {  	_ =	shalt  }
0x40: {  	_ =	shalt  }
0x41: {  	_ =	shalt  }
0x42: {  	_ =	shalt  }
0x43: {  	_ =	shalt  }
0x44: {  	_ =	shalt  }
0x45: {  	_ =	shalt  }
0x46: {  	_ =	shalt  }
0x47: {  	_ =	shalt  }
0x48: {  	_ =	shalt  }
0x49: {  	_ =	shalt  }
0x4a: {  	_ =	shalt  }
0x4b: {  	_ =	shalt  }
0x4c: {  	_ =	shalt  }
0x4d: {  	_ =	shalt  }
0x4e: {  	_ =	shalt  }
0x4f: {  	_ =	shalt  }
0x50: {  	_ =	shalt  }
0x51: {  	_ =	shalt  }
0x52: {  	_ =	shalt  }
0x53: {  	_ =	shalt  }
0x54: {  	_ =	shalt  }
0x55: {  	_ =	shalt  }
0x56: {  	_ =	shalt  }
0x57: {  	_ =	shalt  }
0x58: {  	_ =	shalt  }
0x59: {  	_ =	shalt  }
0x5a: {  	_ =	shalt  }
0x5b: {  	_ =	shalt  }
0x5c: {  	_ =	shalt  }
0x5d: {  	_ =	shalt  }
0x5e: {  	_ =	shalt  }
0x5f: {  	_ =	shalt  }
0x60: {  	_ =	shalt  }
0x61: {  	_ =	shalt  }
0x62: {  	_ =	shalt  }
0x63: {  	_ =	shalt  }
0x64: {  	_ =	shalt  }
0x65: {  	_ =	shalt  }
0x66: {  	_ =	shalt  }
0x67: {  	_ =	shalt  }
0x68: {  	_ =	shalt  }
0x69: {  	_ =	shalt  }
0x6a: {  	_ =	shalt  }
0x6b: {  	_ =	shalt  }
0x6c: {  	_ =	shalt  }
0x6d: {  	_ =	shalt  }
0x6e: {  	_ =	shalt  }
0x6f: {  	_ =	shalt  }
0x70: {  	_ =	shalt  }
0x71: {  	_ =	shalt  }
0x72: {  	_ =	shalt  }
0x73: {  	_ =	shalt  }
0x74: {  	_ =	shalt  }
0x75: {  	_ =	shalt  }
0x76: {  	_ =	shalt  }
0x77: {  	_ =	shalt  }
0x78: {  	_ =	shalt  }
0x79: {  	_ =	shalt  }
0x7a: {  	_ =	shalt  }
0x7b: {  	_ =	shalt  }
0x7c: {  	_ =	shalt  }
0x7d: {  	_ =	shalt  }
0x7e: {  	_ =	shalt  }
0x7f: {  	_ =	shalt  }
0x80: {  	_ =	shalt  }
0x81: {  	_ =	shalt  }
0x82: {  	_ =	shalt  }
0x83: {  	_ =	shalt  }
0x84: {  	_ =	shalt  }
0x85: {  	_ =	shalt  }
0x86: {  	_ =	shalt  }
0x87: {  	_ =	shalt  }
.Lfunc_end0:
.L_simem_size_0:
called_computation_lowered:
.L_overlay_start_0:
0x88: {  	s2 =	sld [smem:$0x3FD9]  }
0x89: {  	s3 =	sld [smem:$0x3FFE];
	_ =	sdelay $0x1  }
0x8a: {  	s1 =	srdreg.scid  }
0x8b: {  	s0 =	sand.u32 $0x1, s1  }
0x8c: {  	s17 =	sshll.u32 s0, $0xA;
	s2 =	sadd.s32 s3, s2  }
0x8d: {  	s2 =	sadd.s32 s2, s17  }
0x8e: {  	[smem:$0x3FC0] =	sst s2  }
0x8f: {  	_ = 	snop  }
0x90: {  	s2 =	sld [smem:$0x3FD0];
	(tm) =	ssettm $0x1  }
0x91: {  	s18 =	sld [smem:$0x3FFB];
	_ =	sdelay $0x3  }
0x92: {  	_ =	strace s18  }
0x93: {  	s3 =	sld [smem:$0x3FFC];
	_ =	sdelay $0x3  }
0x94: {  	_ =	strace s3  }
0x95: {  	s3 =	sld [smem:$0x3FFD];
	_ =	sdelay $0x3  }
0x96: {  	_ =	strace s3  }
0x97: {  	_ =	strace $0x8FFFFFFF  }
0x98: {  	s19 =	sld [smem:$0x3FDB];
	_ =	sdelay $0x1  }
0x99: {  	s4 =	simm.s32 $_scs_section_size  }
0x9a: {  	s5 =	simm.s32 $_size__tile_overlayer_lowered;
	s6 =	simm.s32 $_tile_overlayer_lowered  }
0x9b: {  	s22 =	simm.s32 $0x1BFF;
	s21 =	sshll.u32 s6, $0x1;
	s3 =	sadd.s32 s4, s19  }
0x9c: {  	s7 =	simm.s32 $0x0;
	s20 =	sshll.u32 s5, $0x1;
	s5 =	sadd.s32 s21, s3  }
0x9d: {  	[timem:s7], [sflag:s22] =	dma.local [hbm:s5], s20  }
0x9e: {  	_ =	swait.ge [sflag:s22], s20  }
0x9f: {  	s4 =	ssub.s32 $0x0, s20;
	[sflag:s22] =	ssyncset.done $0x0  }
0xa0: {  	[sflag:s22] =	ssyncadd.s32 s4;
	_ =	sdelay $0x1  }
0xa1: {  	s23 =	simm.s32 $0x1B8B  }
0xa2: {  	_ =	swait.ge [sflag:s23], $0x1  }
0xa3: {  	[sflag:s23] =	ssyncset.done $0x0  }
0xa4: {  	s25 =	simm.s32 $0x1B8E;
	s24 =	sld [smem:$0x3FFE];
	[sflag:s23] =	ssyncadd.s32 $0xFFFFFFFF  }
0xa5: {  	s26 =	simm.s32 $execute0_lowered;
	[smem:$0x3FD2] =	sst s25  }
0xa6: {  	s5 =	sshll.u32 s26, $0x1;
	_ =	strace $0x80000046;
	[dreg:$0x1] =	wrdreg $0xFFFFFFFF  }
0xa7: {  	s28 =	simm.s32 $_size_execute0_lowered;
	s3 =	sadd.s32 s3, s5;
	[dreg:$0x0] =	wrdreg $0x0  }
0xa8: {  	s5 =	sshll.u32 s28, $0x1;
	[dreg:$0x2] =	wrdreg s3  }
0xa9: {  	[dreg:$0x3] =	wrdreg s5  }
0xaa: {  	[dreg:$0x4] =	wrdreg $0xC0  }
0xab: {  	_ =	task [dreg:s7], $0x5FFFF  }
0xac: {  	[dreg:$0x1] =	wrdreg $0xFFFFFFFF  }
0xad: {  	[dreg:$0x0] =	wrdreg $0x60  }
0xae: {  	[dreg:$0x2] =	wrdreg s24  }
0xaf: {  	[dreg:$0x3] =	wrdreg s2  }
0xb0: {  	[dreg:$0x4] =	wrdreg $0x24000  }
0xb1: {  	[dreg:$0x5] =	wrdreg $0x9  }
0xb2: {  	_ =	task.clear_ibuf [dreg:s7], $0x6FFFF;
	_ =	strace $0x90000046  }
0xb3: {  	s29 =	simm.s32 $0x9;
	_ =	strace $0x80000048  }
0xb4: {  	_ =	swait.ge [sflag:s29], $0x1  }
0xb5: {  	[sflag:s29] =	ssyncadd.s32 $0xFFFFFFFF  }
0xb6: {  	_ =	strace $0x90000048  }
0xb7: {  	_ =	sfence  }
0xb8: {  	s30 =	sld [smem:$0x0];
	_ =	sdelay $0x2  }
0xb9: {  	s31 =	sshll.u32 s1, $0xD;
	s1 =	sshrl.u32 s1, $0x2  }
0xba: {  	s3 =	sand.u32 $0x4000, s31;
	s1 =	sadd.s32 s1, s30  }
0xbb: {  	s0 =	sor.u32 s3, s0;
	s1 =	sshll.u32 s1, $0x11  }
0xbc: {  	s0 =	sor.u32 s1, s0  }
0xbd: {  	s0 =	sadd.s32 $0x8F2B, s0  }
0xbe: {  	[sflag:s0] =	ssyncadd.remote.s32 $0x1  }
0xbf: {  	_ =	sfence.sel $0xFFFF  }
0xc0: {  	[dreg:$0x0] =	wrdreg $0xFFFFFFFF;
	(pc) =	sbr.abs _section_cstart, $3  }
0xc1: {  	[dreg:$0x1] =	wrdreg $0xFFFFFFFF  }
0xc2: {  	_ =	task.clear_ibuf [dreg:s7], $0x2FFFF;
	_ =	strace $0x9FFFFFFF  }
0xc3: {  	(tm) =	ssettm $0x7FFFFFFF  }
tec
execute0_lowered:
.L_overlay_start_1:
0x0: {  	(tag) =	ssettag $0x1  }
0x1: {  	s0 =	rddreg [dreg:$0x0]  }
0x2: {  	s2 =	rddreg [dreg:$0x1]  }
0x3: {  	s3 =	rddreg [dreg:$0x2];
	s12 =	stileid.u32  }
0x4: {  	s4 =	simm.s32 $0x0;
	s6 =	srdreg.scid;
	s1 =	smul.u32 $0x63, s12  }
0x5: {  	s28 =	simm.s32 $0xC00;
	s29 =	simm.s32 $0x1;
	s5 =	smul.u32 $0x62, s12  }
0x6: {  	s30 =	simm.s32 $0x100;
	s31 =	simm.s32 $0x1400;
	s7 =	smul.u32 $0x60, s12  }
0x7: {  	[smem:$0x7FF] =	sst s4;
	s6 =	sand.u32 $0x1, s6;
	s8 =	smul.u32 $0x61, s12  }
0x8: {  	p0 =	slt.u32 s12, $0xA;
	p1 =	slt.u32 s12, $0xB;
	s9 =	smul.u32 $0x18800, s12  }
0x9: {  	s10 =	smul.u32 $0x62000, s12;
	s21 =	sshll.u32 s12, $0x6;
	s12 =	simm.s32 $0x4  }
0xa: {  	s17 =	smul.u32 $0x188000, s6;
	p2 =	seq.s32 s6, $0x0;
	_ =	strace $0x80000047  }
0xb: {  	s6 =	ssub.s32 $0x2, s6;
	s7 =	sor.u32 $0xB, s7;
	s5 =	sadd.s32 $0xA, s5  }
0xc: {  	s11 =	sshrl.u32 s6, $0x1;
	s19 =	sshrl.u32 s10, $0x2;
	s20 =	sadd.s32 s9, s3  }
0xd: {  	s7 =	smov.u32 @p1 s8;
	s5 =	smov.u32 @p0 s1;
	s18 =	sadd.s32 s9, s17  }
0xe: {  	s8 =	simm.s32 $0x61;
	s11 =	ssub.s32 s6, s11;
	s10 =	sadd.s32 s19, s3  }
0xf: {  	s6 =	sor.u32 $0x1C04, s21;
	s21 =	simm.s32 $0x280;
	s1 =	sadd.s32 $0x62A, s7  }
0x10: {  	s7 =	sshrl.u32 s18, $0x3;
	s8 =	simm.s32 @!p1 $0x60;
	s13 =	sadd.s32 $0x3100, s10  }
0x11: {  	s14 =	sadd.s32 $0x6200, s10;
	s15 =	sadd.s32 $0x9300, s10;
	s16 =	sadd.s32 $0xC400, s10  }
0x12: {  	s17 =	sadd.s32 $0xF500, s10;
	s18 =	sadd.s32 $0x12600, s10;
	s19 =	sadd.s32 $0x15700, s10  }
0x13: {  	s22 =	smax.u32 s11, $0x1;
	s11 =	sshrl.u32 s20, $0x3;
	s20 =	simm.s32 $0x200  }
0x14: {  	s1 =	smov.u32 @p2 s5;
	s5 =	sadd.s32 $0x189A00, s0;
	[dreg:$0x5] =	wrdreg s22  }
0x15: {  	s23 =	sshrl.u32 s13, $0x3;
	s24 =	sshrl.u32 s14, $0x3;
	s25 =	sshrl.u32 s15, $0x3  }
0x16: {  	s26 =	sshrl.u32 s16, $0x3;
	s17 =	sshrl.u32 s17, $0x3;
	[dreg:$0x6] =	wrdreg s23  }
0x17: {  	s18 =	sshrl.u32 s18, $0x3;
	s19 =	sshrl.u32 s19, $0x3;
	[dreg:$0x7] =	wrdreg s24  }
0x18: {  	s22 =	simm.s32 $0x300;
	s1 =	sshll.u32 s1, $0x6;
	[dreg:$0x8] =	wrdreg s25  }
0x19: {  	[dreg:$0x9] =	wrdreg s26;
	s23 =	simm.s32 $0x380;
	s24 =	simm.s32 $0x3  }
0x1a: {  	s1 =	sadd.s32 s1, s0;
	s0 =	sadd.s32 s7, s0;
	s7 =	simm.s32 $0x63  }
0x1b: {  	s25 =	simm.s32 $0x80;
	s26 =	simm.s32 $0x400;
	s7 =	simm.s32 @!p0 $0x62  }
0x1c: {  	s0 =	sadd.s32 $0x63600, s0;
	s10 =	sadd.s32 $0x1A00, s1;
	s1 =	simm.s32 $0x1C00  }
0x1d: {  	s8 =	smov.u32 @p2 s7;
	[dreg:$0x4] =	wrdreg s0;
	s0 =	simm.s32 $0x180  }
0x1e: {  	s7 =	simm.s32 $0x2;
	s9 =	sshll.u32 s8, $0x6;
	s8 =	simm.s32 $0x0  }
.LBB2_1:
0x1f: {  	[spmem:s11], [sflag:s6] =	dma.local [hbm:s2], $0x620  }
0x20: {  	_ =	swait.ge [sflag:s12], $0x620  }
0x21: {  	[sflag:s12] =	ssyncset.done $0x0  }
0x22: {  	s13 =	rddreg [dreg:$0x6];
	[sflag:s12] =	ssyncadd.s32 $0xFFFFF9E0  }
0x23: {  	[spmem:s13], [sflag:s6] =	dma.local [hbm:s2], $0x620  }
0x24: {  	_ =	swait.ge [sflag:s12], $0x620  }
0x25: {  	[sflag:s12] =	ssyncset.done $0x0  }
0x26: {  	s14 =	rddreg [dreg:$0x7];
	[sflag:s12] =	ssyncadd.s32 $0xFFFFF9E0  }
0x27: {  	[spmem:s14], [sflag:s6] =	dma.local [hbm:s2], $0x620  }
0x28: {  	_ =	swait.ge [sflag:s12], $0x620  }
0x29: {  	[sflag:s12] =	ssyncset.done $0x0  }
0x2a: {  	s15 =	rddreg [dreg:$0x8];
	[sflag:s12] =	ssyncadd.s32 $0xFFFFF9E0  }
0x2b: {  	[spmem:s15], [sflag:s6] =	dma.local [hbm:s2], $0x620  }
0x2c: {  	_ =	swait.ge [sflag:s12], $0x620  }
0x2d: {  	[sflag:s12] =	ssyncset.done $0x0  }
0x2e: {  	s16 =	rddreg [dreg:$0x9];
	[sflag:s12] =	ssyncadd.s32 $0xFFFFF9E0  }
0x2f: {  	[spmem:s16], [sflag:s6] =	dma.local [hbm:s2], $0x620  }
0x30: {  	_ =	swait.ge [sflag:s12], $0x620  }
0x31: {  	[sflag:s12] =	ssyncset.done $0x0  }
0x32: {  	[sflag:s12] =	ssyncadd.s32 $0xFFFFF9E0  }
0x33: {  	[spmem:s17], [sflag:s6] =	dma.local [hbm:s2], $0x620  }
0x34: {  	_ =	swait.ge [sflag:s12], $0x620  }
0x35: {  	[sflag:s12] =	ssyncset.done $0x0  }
0x36: {  	[sflag:s12] =	ssyncadd.s32 $0xFFFFF9E0  }
0x37: {  	[spmem:s18], [sflag:s6] =	dma.local [hbm:s2], $0x620  }
0x38: {  	_ =	swait.ge [sflag:s12], $0x620  }
0x39: {  	[sflag:s12] =	ssyncset.done $0x0  }
0x3a: {  	p1 =	sne.s32 s9, $0x40;
	[sflag:s12] =	ssyncadd.s32 $0xFFFFF9E0  }
0x3b: {  	[spmem:s19], [sflag:s6] =	dma.local [hbm:s2], $0x620  }
.Ltmp0:
0x3c: {  	_ =	swait.ge [sflag:s12], $0x620;
	(pc) =	sbr.rel @!p1 .LBB2_6-.Ltmp0, $4  }
0x3d: {  	[sflag:s12] =	ssyncset.done $0x0  }
0x3e: {  	[sflag:s12] =	ssyncadd.s32 $0xFFFFF9E0  }
0x3f: {  	[bflag:$0x0] =	sbarrier.arrive $0xFFFF  }
0x40: {  	p0 =	por $0x0, $0x0;
	s13 =	simm.s32 $0x40;
	s14 =	simm.s32 $0x0  }
0x41: {  	s14 =	sadd.s32 $0x0, s10  }
0x42: {  	[tilespmem:s4], [sflag:$0x4] =	stream.linear.gather [hbm4b:s14+s4], $0x200, $0x38;
	[tilespmem:$0x1AC00] =	vst v63  }
0x43: {  	_ =	swait.ge [sflag:s12], $0x200  }
0x44: {  	[sflag:s12] =	ssyncset.done $0x0  }
0x45: {  	s15 =	sadd.s32 $0x30D40, s14;
	[sflag:s12] =	ssyncadd.s32 $0xFFFFFE00  }
0x46: {  	[tilespmem:s20], [sflag:$0x3] =	stream.linear.gather [hbm4b:s15+s4], $0x80, $0x38;
	[tilespmem:$0x1AC00] =	vst v63  }
0x47: {  	s16 =	sadd.s32 $0x30D50, s14  }
0x48: {  	[tilespmem:s21], [sflag:$0x3] =	stream.linear.gather [hbm4b:s16+s4], $0x80, $0x38;
	[tilespmem:$0x1AC00] =	vst v63  }
0x49: {  	s16 =	sadd.s32 $0x30D60, s14  }
0x4a: {  	[tilespmem:s22], [sflag:$0x3] =	stream.linear.gather [hbm4b:s16+s4], $0x80, $0x38;
	[tilespmem:$0x1AC00] =	vst v63  }
0x4b: {  	s14 =	sadd.s32 $0x30D70, s14  }
0x4c: {  	[tilespmem:s23], [sflag:$0x3] =	stream.linear.gather [hbm4b:s14+s4], $0x80, $0x38;
	[tilespmem:$0x1AC00] =	vst v63  }
0x4d: {  	_ =	swait.ge [sflag:s24], $0x80  }
0x4e: {  	[sflag:s24] =	ssyncset.done $0x0  }
0x4f: {  	[sflag:s24] =	ssyncadd.s32 $0xFFFFFF80  }
0x50: {  	_ =	swait.ge [sflag:s24], $0x80  }
0x51: {  	[sflag:s24] =	ssyncset.done $0x0  }
0x52: {  	[sflag:s24] =	ssyncadd.s32 $0xFFFFFF80  }
0x53: {  	_ =	swait.ge [sflag:s24], $0x80  }
0x54: {  	[sflag:s24] =	ssyncset.done $0x0  }
0x55: {  	[sflag:s24] =	ssyncadd.s32 $0xFFFFFF80  }
0x56: {  	_ =	swait.ge [sflag:s24], $0x80  }
0x57: {  	[sflag:s24] =	ssyncset.done $0x0  }
0x58: {  	[sflag:s24] =	ssyncadd.s32 $0xFFFFFF80  }
0x59: {  	[tilespmem:s26], [sflag:$0x1] =	stream.indirect.gather [hbm4b:s5+s25], $0x10, s4, s25, $0xb8;
	[tilespmem:$0x1AC00] =	vst v63  }
0x5a: {  	_ = 	snop  }
0x5b: {  	[tilespmem:s28], [sflag:$0x1] =	stream.indirect.gather [hbm4b:s5+s25], $0x10, s25, s25, $0xb8;
	[tilespmem:$0x1AC00] =	vst v63  }
0x5c: {  	_ =	swait.ge [sflag:s29], $0x800  }
0x5d: {  	[sflag:s29] =	ssyncset.done $0x0  }
0x5e: {  	[sflag:s29] =	ssyncadd.s32 $0xFFFFF800  }
0x5f: {  	[spmem:s3] =	stream.indirect.scatter.add.f32 [tilespmem:s26], [sflag:$0x2], $0x10, s20, s25, $0xb8;
	[tilespmem:$0x1AC00] =	vst v63  }
0x60: {  	_ = 	snop  }
0x61: {  	[tilespmem:s31], [sflag:$0x1] =	stream.indirect.gather [hbm4b:s5+s25], $0x10, s30, s25, $0xb8;
	[tilespmem:$0x1AC00] =	vst v63  }
0x62: {  	_ =	swait.ge [sflag:s29], $0x800  }
0x63: {  	[sflag:s29] =	ssyncset.done $0x0  }
0x64: {  	[sflag:s29] =	ssyncadd.s32 $0xFFFFF800  }
0x65: {  	[spmem:s3] =	stream.indirect.scatter.add.f32 [tilespmem:s28], [sflag:$0x2], $0x10, s21, s25, $0xb8;
	[tilespmem:$0x1AC00] =	vst v63  }
0x66: {  	_ = 	snop  }
0x67: {  	[tilespmem:s1], [sflag:$0x1] =	stream.indirect.gather [hbm4b:s5+s25], $0x10, s0, s25, $0xb8;
	[tilespmem:$0x1AC00] =	vst v63  }
0x68: {  	_ =	swait.ge [sflag:s29], $0x800  }
0x69: {  	[sflag:s29] =	ssyncset.done $0x0  }
0x6a: {  	[sflag:s29] =	ssyncadd.s32 $0xFFFFF800  }
0x6b: {  	[spmem:s3] =	stream.indirect.scatter.add.f32 [tilespmem:s31], [sflag:$0x2], $0x10, s22, s25, $0xb8;
	[tilespmem:$0x1AC00] =	vst v63  }
0x6c: {  	_ =	swait.ge [sflag:s29], $0x800  }
0x6d: {  	[sflag:s29] =	ssyncset.done $0x0  }
0x6e: {  	[sflag:s29] =	ssyncadd.s32 $0xFFFFF800  }
0x6f: {  	[spmem:s3] =	stream.indirect.scatter.add.f32 [tilespmem:s1], [sflag:$0x2], $0x10, s23, s25, $0xb8;
	[tilespmem:$0x1AC00] =	vst v63  }
0x70: {  	_ =	swait.ge [sflag:s7], $0x800  }
0x71: {  	[sflag:s7] =	ssyncset.done $0x0  }
0x72: {  	[sflag:s7] =	ssyncadd.s32 $0xFFFFF800  }
0x73: {  	_ =	swait.ge [sflag:s7], $0x800  }
0x74: {  	[sflag:s7] =	ssyncset.done $0x0  }
0x75: {  	p1 =	sne.s32 s9, $0x80;
	[sflag:s7] =	ssyncadd.s32 $0xFFFFF800  }
.Ltmp1:
0x76: {  	_ =	swait.ge [sflag:s7], $0x800;
	(pc) =	sbr.rel @!p1 .LBB2_3-.Ltmp1, $4  }
0x77: {  	[sflag:s7] =	ssyncset.done $0x0  }
0x78: {  	[sflag:s7] =	ssyncadd.s32 $0xFFFFF800  }
0x79: {  	_ =	swait.ge [sflag:s7], $0x800  }
0x7a: {  	p0 =	por $0x1, $0x1;
	s14 =	simm.s32 $0x80;
	[sflag:s7] =	ssyncset.done $0x0  }
.LBB2_4:
0x7b: {  	s15 =	sadd.s32 s13, s10  }
0x7c: {  	[sflag:s7] =	ssyncadd.s32 $0xFFFFF800;
	s13 =	smov.u32 s14;
	s14 =	sadd.s32 $0x40, s14  }
0x7d: {  	[tilespmem:s4], [sflag:$0x4] =	stream.linear.gather [hbm4b:s15+s4], $0x200, $0x38;
	[tilespmem:$0x1AC00] =	vst v63  }
0x7e: {  	p1 =	sne.s32 s9, s14;
	_ =	swait.ge [sflag:s12], $0x200  }
0x7f: {  	[sflag:s12] =	ssyncset.done $0x0  }
0x80: {  	s16 =	sadd.s32 $0x30D40, s15;
	[sflag:s12] =	ssyncadd.s32 $0xFFFFFE00  }
0x81: {  	[tilespmem:s20], [sflag:$0x3] =	stream.linear.gather [hbm4b:s16+s4], $0x80, $0x38;
	[tilespmem:$0x1AC00] =	vst v63  }
0x82: {  	s16 =	sadd.s32 $0x30D50, s15  }
0x83: {  	[tilespmem:s21], [sflag:$0x3] =	stream.linear.gather [hbm4b:s16+s4], $0x80, $0x38;
	[tilespmem:$0x1AC00] =	vst v63  }
0x84: {  	s16 =	sadd.s32 $0x30D60, s15  }
0x85: {  	[tilespmem:s22], [sflag:$0x3] =	stream.linear.gather [hbm4b:s16+s4], $0x80, $0x38;
	[tilespmem:$0x1AC00] =	vst v63  }
0x86: {  	s15 =	sadd.s32 $0x30D70, s15  }
0x87: {  	[tilespmem:s23], [sflag:$0x3] =	stream.linear.gather [hbm4b:s15+s4], $0x80, $0x38;
	[tilespmem:$0x1AC00] =	vst v63  }
0x88: {  	_ =	swait.ge [sflag:s24], $0x80  }
0x89: {  	[sflag:s24] =	ssyncset.done $0x0  }
0x8a: {  	[sflag:s24] =	ssyncadd.s32 $0xFFFFFF80  }
0x8b: {  	_ =	swait.ge [sflag:s24], $0x80  }
0x8c: {  	[sflag:s24] =	ssyncset.done $0x0  }
0x8d: {  	[sflag:s24] =	ssyncadd.s32 $0xFFFFFF80  }
0x8e: {  	_ =	swait.ge [sflag:s24], $0x80  }
0x8f: {  	[sflag:s24] =	ssyncset.done $0x0  }
0x90: {  	[sflag:s24] =	ssyncadd.s32 $0xFFFFFF80  }
0x91: {  	_ =	swait.ge [sflag:s24], $0x80  }
0x92: {  	[sflag:s24] =	ssyncset.done $0x0  }
0x93: {  	[sflag:s24] =	ssyncadd.s32 $0xFFFFFF80  }
0x94: {  	[tilespmem:s26], [sflag:$0x1] =	stream.indirect.gather [hbm4b:s5+s25], $0x10, s4, s25, $0xb8;
	[tilespmem:$0x1AC00] =	vst v63  }
0x95: {  	_ = 	snop  }
0x96: {  	[tilespmem:s28], [sflag:$0x1] =	stream.indirect.gather [hbm4b:s5+s25], $0x10, s25, s25, $0xb8;
	[tilespmem:$0x1AC00] =	vst v63  }
0x97: {  	_ =	swait.ge [sflag:s29], $0x800  }
0x98: {  	[sflag:s29] =	ssyncset.done $0x0  }
0x99: {  	[sflag:s29] =	ssyncadd.s32 $0xFFFFF800  }
0x9a: {  	[spmem:s3] =	stream.indirect.scatter.add.f32 [tilespmem:s26], [sflag:$0x2], $0x10, s20, s25, $0xb8;
	[tilespmem:$0x1AC00] =	vst v63  }
0x9b: {  	_ = 	snop  }
0x9c: {  	[tilespmem:s31], [sflag:$0x1] =	stream.indirect.gather [hbm4b:s5+s25], $0x10, s30, s25, $0xb8;
	[tilespmem:$0x1AC00] =	vst v63  }
0x9d: {  	_ =	swait.ge [sflag:s29], $0x800  }
0x9e: {  	[sflag:s29] =	ssyncset.done $0x0  }
0x9f: {  	[sflag:s29] =	ssyncadd.s32 $0xFFFFF800  }
0xa0: {  	[spmem:s3] =	stream.indirect.scatter.add.f32 [tilespmem:s28], [sflag:$0x2], $0x10, s21, s25, $0xb8;
	[tilespmem:$0x1AC00] =	vst v63  }
0xa1: {  	_ = 	snop  }
0xa2: {  	[tilespmem:s1], [sflag:$0x1] =	stream.indirect.gather [hbm4b:s5+s25], $0x10, s0, s25, $0xb8;
	[tilespmem:$0x1AC00] =	vst v63  }
0xa3: {  	_ =	swait.ge [sflag:s29], $0x800  }
0xa4: {  	[sflag:s29] =	ssyncset.done $0x0  }
0xa5: {  	[sflag:s29] =	ssyncadd.s32 $0xFFFFF800  }
0xa6: {  	[spmem:s3] =	stream.indirect.scatter.add.f32 [tilespmem:s31], [sflag:$0x2], $0x10, s22, s25, $0xb8;
	[tilespmem:$0x1AC00] =	vst v63  }
0xa7: {  	_ =	swait.ge [sflag:s29], $0x800  }
0xa8: {  	[sflag:s29] =	ssyncset.done $0x0  }
0xa9: {  	[sflag:s29] =	ssyncadd.s32 $0xFFFFF800  }
0xaa: {  	[spmem:s3] =	stream.indirect.scatter.add.f32 [tilespmem:s1], [sflag:$0x2], $0x10, s23, s25, $0xb8;
	[tilespmem:$0x1AC00] =	vst v63  }
0xab: {  	_ =	swait.ge [sflag:s7], $0x800  }
0xac: {  	[sflag:s7] =	ssyncset.done $0x0  }
0xad: {  	[sflag:s7] =	ssyncadd.s32 $0xFFFFF800  }
0xae: {  	_ =	swait.ge [sflag:s7], $0x800  }
0xaf: {  	[sflag:s7] =	ssyncset.done $0x0  }
0xb0: {  	[sflag:s7] =	ssyncadd.s32 $0xFFFFF800  }
.Ltmp2:
0xb1: {  	_ =	swait.ge [sflag:s7], $0x800;
	(pc) =	sbr.rel @p1 .LBB2_4-.Ltmp2, $4  }
0xb2: {  	[sflag:s7] =	ssyncset.done $0x0  }
0xb3: {  	[sflag:s7] =	ssyncadd.s32 $0xFFFFF800  }
0xb4: {  	_ =	swait.ge [sflag:s7], $0x800  }
0xb5: {  	[sflag:s7] =	ssyncset.done $0x0  }
0xb6: {  	s14 =	smov.u32 s13  }
.LBB2_6:
0xb7: {  	s13 =	sadd.s32 s14, s10;
	[sflag:s7] =	ssyncadd.s32 @p0 $0xFFFFF800  }
0xb8: {  	[tilespmem:s4], [sflag:$0x4] =	stream.linear.gather [hbm4b:s13+s4], $0x200, $0x38;
	[tilespmem:$0x1AC00] =	vst v63  }
0xb9: {  	_ =	swait.ge [sflag:s12], $0x200  }
0xba: {  	[sflag:s12] =	ssyncset.done $0x0  }
0xbb: {  	s14 =	sadd.s32 $0x30D40, s13;
	[sflag:s12] =	ssyncadd.s32 $0xFFFFFE00  }
0xbc: {  	[tilespmem:s20], [sflag:$0x3] =	stream.linear.gather [hbm4b:s14+s4], $0x80, $0x38;
	[tilespmem:$0x1AC00] =	vst v63  }
0xbd: {  	s15 =	sadd.s32 $0x30D50, s13  }
0xbe: {  	[tilespmem:s21], [sflag:$0x3] =	stream.linear.gather [hbm4b:s15+s4], $0x80, $0x38;
	[tilespmem:$0x1AC00] =	vst v63  }
0xbf: {  	s16 =	sadd.s32 $0x30D60, s13  }
0xc0: {  	[tilespmem:s22], [sflag:$0x3] =	stream.linear.gather [hbm4b:s16+s4], $0x80, $0x38;
	[tilespmem:$0x1AC00] =	vst v63  }
0xc1: {  	s13 =	sadd.s32 $0x30D70, s13  }
0xc2: {  	[tilespmem:s23], [sflag:$0x3] =	stream.linear.gather [hbm4b:s13+s4], $0x80, $0x38;
	[tilespmem:$0x1AC00] =	vst v63  }
0xc3: {  	_ =	swait.ge [sflag:s24], $0x80  }
0xc4: {  	[sflag:s24] =	ssyncset.done $0x0  }
0xc5: {  	[sflag:s24] =	ssyncadd.s32 $0xFFFFFF80  }
0xc6: {  	_ =	swait.ge [sflag:s24], $0x80  }
0xc7: {  	[sflag:s24] =	ssyncset.done $0x0  }
0xc8: {  	[sflag:s24] =	ssyncadd.s32 $0xFFFFFF80  }
0xc9: {  	_ =	swait.ge [sflag:s24], $0x80  }
0xca: {  	[sflag:s24] =	ssyncset.done $0x0  }
0xcb: {  	[sflag:s24] =	ssyncadd.s32 $0xFFFFFF80  }
0xcc: {  	_ =	swait.ge [sflag:s24], $0x80  }
0xcd: {  	[sflag:s24] =	ssyncset.done $0x0  }
0xce: {  	[sflag:s24] =	ssyncadd.s32 $0xFFFFFF80  }
0xcf: {  	[tilespmem:s26], [sflag:$0x1] =	stream.indirect.gather [hbm4b:s5+s25], $0x10, s4, s25, $0xb8;
	[tilespmem:$0x1AC00] =	vst v63  }
0xd0: {  	_ = 	snop  }
0xd1: {  	[tilespmem:s28], [sflag:$0x1] =	stream.indirect.gather [hbm4b:s5+s25], $0x10, s25, s25, $0xb8;
	[tilespmem:$0x1AC00] =	vst v63  }
0xd2: {  	_ =	swait.ge [sflag:s29], $0x800  }
0xd3: {  	[sflag:s29] =	ssyncset.done $0x0  }
0xd4: {  	[sflag:s29] =	ssyncadd.s32 $0xFFFFF800  }
0xd5: {  	[spmem:s3] =	stream.indirect.scatter.add.f32 [tilespmem:s26], [sflag:$0x2], $0x10, s20, s25, $0xb8;
	[tilespmem:$0x1AC00] =	vst v63  }
0xd6: {  	_ = 	snop  }
0xd7: {  	[tilespmem:s31], [sflag:$0x1] =	stream.indirect.gather [hbm4b:s5+s25], $0x10, s30, s25, $0xb8;
	[tilespmem:$0x1AC00] =	vst v63  }
0xd8: {  	_ =	swait.ge [sflag:s29], $0x800  }
0xd9: {  	[sflag:s29] =	ssyncset.done $0x0  }
0xda: {  	[sflag:s29] =	ssyncadd.s32 $0xFFFFF800  }
0xdb: {  	[spmem:s3] =	stream.indirect.scatter.add.f32 [tilespmem:s28], [sflag:$0x2], $0x10, s21, s25, $0xb8;
	[tilespmem:$0x1AC00] =	vst v63  }
0xdc: {  	_ = 	snop  }
0xdd: {  	[tilespmem:s1], [sflag:$0x1] =	stream.indirect.gather [hbm4b:s5+s25], $0x10, s0, s25, $0xb8;
	[tilespmem:$0x1AC00] =	vst v63  }
0xde: {  	_ =	swait.ge [sflag:s29], $0x800  }
0xdf: {  	[sflag:s29] =	ssyncset.done $0x0  }
0xe0: {  	[sflag:s29] =	ssyncadd.s32 $0xFFFFF800  }
0xe1: {  	[spmem:s3] =	stream.indirect.scatter.add.f32 [tilespmem:s31], [sflag:$0x2], $0x10, s22, s25, $0xb8;
	[tilespmem:$0x1AC00] =	vst v63  }
0xe2: {  	_ =	swait.ge [sflag:s29], $0x800  }
0xe3: {  	[sflag:s29] =	ssyncset.done $0x0  }
0xe4: {  	[sflag:s29] =	ssyncadd.s32 $0xFFFFF800  }
0xe5: {  	[spmem:s3] =	stream.indirect.scatter.add.f32 [tilespmem:s1], [sflag:$0x2], $0x10, s23, s25, $0xb8;
	[tilespmem:$0x1AC00] =	vst v63  }
0xe6: {  	_ =	swait.ge [sflag:s7], $0x800  }
0xe7: {  	[sflag:s7] =	ssyncset.done $0x0  }
0xe8: {  	[sflag:s7] =	ssyncadd.s32 $0xFFFFF800  }
0xe9: {  	_ =	swait.ge [sflag:s7], $0x800  }
0xea: {  	[sflag:s7] =	ssyncset.done $0x0  }
0xeb: {  	[sflag:s7] =	ssyncadd.s32 $0xFFFFF800  }
0xec: {  	_ =	swait.ge [sflag:s7], $0x800  }
0xed: {  	[sflag:s7] =	ssyncset.done $0x0  }
0xee: {  	[sflag:s7] =	ssyncadd.s32 $0xFFFFF800  }
0xef: {  	_ =	swait.ge [sflag:s7], $0x800  }
0xf0: {  	[sflag:s7] =	ssyncset.done $0x0  }
0xf1: {  	[sflag:s7] =	ssyncadd.s32 $0xFFFFF800  }
0xf2: {  	[bflag:$0x0] =	sbarrier.arrive $0xFFFF  }
0xf3: {  	s15 =	rddreg [dreg:$0x4]  }
0xf4: {  	[hbm:s15], [sflag:s6] =	dma.local [spmem:s11], $0x3100  }
0xf5: {  	_ =	swait.ge [sflag:s12], $0x3100  }
0xf6: {  	s8 =	sadd.s32 $0x1, s8;
	s16 =	rddreg [dreg:$0x5]  }
0xf7: {  	p0 =	sne.s32 s8, s16  }
.Ltmp3:
0xf8: {  	_ = 	snop;
	(pc) =	sbr.rel @p0 .LBB2_1-.Ltmp3, $4  }
.Ltmp4:
0xf9: {  	_ = 	snop;
	(pc) =	sbr.rel @!p0 .LBB2_7-.Ltmp4, $4  }
0xfa: {  	_ = 	snop  }
0xfb: {  	[sflag:s12] =	ssyncset.done $0x0  }
0xfc: {  	[sflag:s12] =	ssyncadd.s32 $0xFFFFCF00  }
0xfd: {  	_ = 	snop  }
.LBB2_3:
.Ltmp5:
0xfe: {  	(pc) =	sbr.rel .LBB2_6-.Ltmp5, $2  }
0xff: {  	_ =	sdelay $0x2  }
0x100: {  	s14 =	simm.s32 $0x40  }
.LBB2_7:
0x101: {  	_ =	sfence.sel $0x180000  }
0x102: {  	[bflag:$0x0] =	sbarrier.arrive $0xFFFF  }
0x103: {  	_ =	strace $0x90000047  }
0x104: {  	s0 =	stileid.u32;
	[bflag:$0x2] =	sbarrier.arrive $0xFFFF  }
0x105: {  	p0 =	sne.s32 s0, $0x0;
	s0 =	rddreg [dreg:$0x3]  }
0x106: {  	s0 =	sadd.s32 @!p0 $0x100000, s0  }
0x107: {  	[sflag:s0] =	ssyncadd.tile.s32 @!p0 $0x1;
	_ =	shalt  }
.Lfunc_end2:
_tile_overlayer_lowered:
.L_overlay_start_2:
0x108: {  	(tag) =	ssettag $0x2  }
0x109: {  	s0 =	rddreg [dreg:$0x0];
	s2 =	stileid.u32  }
0x10a: {  	s1 =	rddreg [dreg:$0x1];
	p0 =	sne.s32 s2, $0x0  }
0x10b: {  	s3 =	rddreg [dreg:$0x2];
	[bflag:$0x3] =	sbarrier.arrive $0xFFFF;
	s2 =	simm.s32 @!p0 $0x1C04  }
0x10c: {  	[timem:s3], [sflag:s2] =	dma.local @!p0 [hbm:s0], s1  }
0x10d: {  	s0 =	simm.s32 @!p0 $0x4  }
0x10e: {  	_ =	swait.ge @!p0 [sflag:s0], s1  }
0x10f: {  	s1 =	ssub.s32 @!p0 $0x0, s1;
	[sflag:s0] =	ssyncset.done @!p0 $0x0  }
0x110: {  	[sflag:s0] =	ssyncadd.s32 @!p0 s1  }
0x111: {  	[bflag:$0x3] =	sbarrier.arrive $0xFFFF  }
0x112: {  	_ =	shalt  }

</sc_bundles>
